<compile_context>
chip_gen: v7x
topology: tpu7x:2x2x1
jax: 0.10.2.dev20260603
libtpu: 0.0.44.dev20260713+nightly
codegen_flags: <defaults>
</compile_context>

<pallas_src>
import functools

import jax
import jax.numpy as jnp
from jax import lax
from jax.experimental import pallas as pl
from jax.experimental.pallas import tpu as pltpu
from jax.experimental.pallas import tpu_sc as plsc

N_CLASSES = 1000
B, F = 1024, 26
_INFO = plsc.get_sparse_core_info()
NC, NS = _INFO.num_cores, _INFO.num_subcores
NW = NC * NS
B_PER_W = B // NW


@functools.partial(
    pl.kernel,
    mesh=plsc.VectorSubcoreMesh(core_axis_name="c", subcore_axis_name="s"),
    out_type=jax.ShapeDtypeStruct((B, F, N_CLASSES), jnp.int32),
    scratch_types=[
        pltpu.VMEM((B_PER_W * F + 16,), jnp.int32),
        pltpu.VMEM((1, F, N_CLASSES), jnp.int32),
        pltpu.VMEM((1, F, N_CLASSES), jnp.int32),
        pltpu.SemaphoreType.DMA,
        pltpu.SemaphoreType.DMA,
    ],
    compiler_params=pltpu.CompilerParams(needs_layout_passes=False),
)
def _one_hot_sc(x_hbm, out_hbm, idx_v, buf_a, buf_b, sem_a, sem_b):
    wid = lax.axis_index("s") * NC + lax.axis_index("c")
    base_b = wid * B_PER_W
    pltpu.sync_copy(x_hbm.at[pl.ds(base_b * F, B_PER_W * F)],
                    idx_v.at[pl.ds(0, B_PER_W * F)])

    zeros16 = jnp.zeros((16,), jnp.int32)
    ones16 = jnp.ones((16,), jnp.int32)
    lane = lax.iota(jnp.int32, 16)
    bufs = (buf_a, buf_b)
    sems = (sem_a, sem_b)

    for buf in bufs:
        def zero_body(ff, carry, buf=buf):
            for k in range(N_CLASSES // 16):
                buf[0, ff, pl.ds(k * 16, 16)] = zeros16
            buf[0, ff, pl.ds(N_CLASSES - 16, 16)] = zeros16
            return carry

        lax.fori_loop(0, F, zero_body, 0)

    def scatter_batch(buf, c, value16):
        for v in range(2):
            r0 = v * 16
            ff = lane + r0
            mask = ff < F
            idx = idx_v[pl.ds(c * F + r0, 16)]
            plsc.store_scatter(buf, [jnp.zeros((16,), jnp.int32), ff, idx],
                               value16, mask=mask)

    def start_dma(buf, sem, c):
        pltpu.async_copy(buf, out_hbm.at[pl.ds(base_b + c, 1)], sem)

    def wait_dma(buf, sem, c):
        pltpu.make_async_copy(buf, out_hbm.at[pl.ds(base_b + c, 1)], sem).wait()

    for j in range(2):
        scatter_batch(bufs[j], j, ones16)
        start_dma(bufs[j], sems[j], j)

    def pair_body(c0, carry):
        for j in range(2):
            c = c0 + j
            buf, sem = bufs[j], sems[j]
            wait_dma(buf, sem, c - 2)
            scatter_batch(buf, c - 2, zeros16)
            scatter_batch(buf, c, ones16)
            start_dma(buf, sem, c)
        return carry

    lax.fori_loop(1, B_PER_W // 2, lambda i, cr: pair_body(i * 2, cr), 0)

    for j in range(2):
        wait_dma(bufs[j], sems[j], B_PER_W - 2 + j)


def kernel(x):
    return _one_hot_sc(x.reshape(B * F))

# --- scband reference (transcript-rebuilt; emitter-appended) ---
"""Pipeline reference for scband-one-hot-layer-58050777973092 (READ-ONLY COPY).

The authoritative reference and input builder live on the scoring server;
editing this copy changes nothing except your own understanding.
"""

import jax, jax.numpy as jnp
import numpy as np

N_CLASSES = 1000

def setup_inputs(seed: int = 0) -> dict:
    key = jax.random.key(seed)
    x = jax.random.randint(key, (1024, 26), 0, N_CLASSES)
    return {"x": x}

def reference(x) -> jnp.ndarray:
    # Faithful translation of torch.nn.functional.one_hot(x, n):
    # output shape x.shape + (n,), integer dtype, 1 at the index position.
    oh = (x[..., None] == jnp.arange(N_CLASSES, dtype=x.dtype)).astype(jnp.int32)
    return oh

if __name__ == "__main__":
    import jax
    _d = setup_inputs()
    print(jax.jit(kernel)(*tuple(_d.values())))

</pallas_src>

<mosaic_0001>
#map = affine_map<(d0, d1) -> (0)>
#map1 = affine_map<(d0, d1) -> (0, 0, 0)>
module attributes {stable_mosaic.version = 14 : i64} {
  func.func @_one_hot_sc(%arg0: i32, %arg1: i32, %arg2: memref<26624xi32, #tpu.memory_space<hbm>>, %arg3: memref<1024x26x1000xi32, #tpu.memory_space<hbm>>, %arg4: memref<848xi32, #tpu.memory_space<vmem>>, %arg5: memref<1x26x1000xi32, #tpu.memory_space<vmem>>, %arg6: memref<1x26x1000xi32, #tpu.memory_space<vmem>>, %arg7: memref<!tpu.dma_semaphore, #tpu.memory_space<semaphore_mem>>, %arg8: memref<!tpu.dma_semaphore, #tpu.memory_space<semaphore_mem>>) attributes {dimension_semantics = [#tpu.dimension_semantics<core_parallel>, #tpu.dimension_semantics<subcore_parallel>], iteration_bounds = array<i64: 2, 16>, scalar_prefetch = 0 : i64, scratch_operands = 5 : i64, tpu.core_type = #tpu.core_type<sc_vector_subcore>, window_params = [{transform_indices = #map}, {transform_indices = #map1}]} {
    %mul3A = arith.constant 2 : i32
    %mul3A_0 = arith.muli %arg1, %mul3A : i32
    %add3A = arith.addi %mul3A_0, %arg0 : i32
    %mul3A_1 = arith.constant 32 : i32
    %mul3A_2 = arith.muli %add3A, %mul3A_1 : i32
    %mul3A_3 = arith.constant 26 : i32
    %mul3A_4 = arith.muli %mul3A_2, %mul3A_3 : i32
    "tpu.region"() ({
      %run_scoped3A = tpu.sem_alloc : memref<!tpu.dma_semaphore, #tpu.memory_space<semaphore_mem>>
      %dma_start3A_93 = arith.constant 0 : i32
      %dma_start3A_94 = tpu.memref_slice %arg4[%dma_start3A_93] : memref<848xi32, #tpu.memory_space<vmem>> -> memref<832xi32, #tpu.memory_space<vmem>>
      %dma_start3A_95 = tpu.memref_slice %arg2[%mul3A_4] : memref<26624xi32, #tpu.memory_space<hbm>> -> memref<832xi32, #tpu.memory_space<hbm>>
      %dma_start3A_96 = arith.constant 0 : i32
      %dma_start3A_97 = tpu.memref_slice %arg4[%dma_start3A_96] : memref<848xi32, #tpu.memory_space<vmem>> -> memref<832xi32, #tpu.memory_space<vmem>>
      %dma_start3A_98 = tpu.memref_slice %arg2[%mul3A_4] : memref<26624xi32, #tpu.memory_space<hbm>> -> memref<832xi32, #tpu.memory_space<hbm>>
      tpu.enqueue_dma source(%dma_start3A_98 : memref<832xi32, #tpu.memory_space<hbm>>) target(%dma_start3A_97 : memref<832xi32, #tpu.memory_space<vmem>>) target_semaphore(%run_scoped3A : memref<!tpu.dma_semaphore, #tpu.memory_space<semaphore_mem>>)
      %dma_wait3A_99 = arith.constant 0 : i32
      %dma_wait3A_100 = tpu.memref_slice %arg4[%dma_wait3A_99] : memref<848xi32, #tpu.memory_space<vmem>> -> memref<832xi32, #tpu.memory_space<vmem>>
      %dma_wait3A_101 = tpu.memref_slice %arg2[%mul3A_4] : memref<26624xi32, #tpu.memory_space<hbm>> -> memref<832xi32, #tpu.memory_space<hbm>>
      %dma_wait3A_102 = arith.constant 0 : i32
      %dma_wait3A_103 = tpu.memref_slice %arg4[%dma_wait3A_102] : memref<848xi32, #tpu.memory_space<vmem>> -> memref<832xi32, #tpu.memory_space<vmem>>
      %dma_wait3A_104 = tpu.memref_slice %arg2[%mul3A_4] : memref<26624xi32, #tpu.memory_space<hbm>> -> memref<832xi32, #tpu.memory_space<hbm>>
      tpu.wait_dma2 semaphore(%run_scoped3A : memref<!tpu.dma_semaphore, #tpu.memory_space<semaphore_mem>>) src(%dma_wait3A_104 : memref<832xi32, #tpu.memory_space<hbm>>) dst(%dma_wait3A_103 : memref<832xi32, #tpu.memory_space<vmem>>)
      tpu.yield
    }) : () -> ()
    %broadcast_in_dim3A = arith.constant 0 : i32
    %broadcast_in_dim3A_5 = vector.broadcast %broadcast_in_dim3A : i32 to vector<16xi32>
    %broadcast_in_dim3A_6 = arith.constant 1 : i32
    %broadcast_in_dim3A_7 = vector.broadcast %broadcast_in_dim3A_6 : i32 to vector<16xi32>
    %iota3A = tpu.iota {dimensions = array<i32: 0>} : vector<16xi32>
    %scan3A = arith.constant 0 : i32
    %scan3A_8 = arith.constant 0 : i32
    %scan3A_9 = arith.constant 26 : i32
    %scan3A_10 = arith.addi %scan3A_8, %scan3A_9 : i32
    %scan3A_11 = arith.constant 1 : i32
    scf.for %scan3A_93 = %scan3A_8 to %scan3A_10 step %scan3A_11  : i32 {
      %swap3A = arith.constant 0 : i32
      %swap3A_94 = arith.index_cast %swap3A : i32 to index
      %swap3A_95 = arith.index_cast %scan3A_93 : i32 to index
      %swap3A_96 = arith.constant 0 : index
      %swap3A_97 = tpu.vector_load %arg5[%swap3A_94, %swap3A_95, %swap3A_96] {strides = array<i32>} : memref<1x26x1000xi32, #tpu.memory_space<vmem>>, vector<16xi32>,
      tpu.vector_store %arg5[%swap3A_94, %swap3A_95, %swap3A_96], %broadcast_in_dim3A_5 {strides = array<i32>} : memref<1x26x1000xi32, #tpu.memory_space<vmem>>, vector<16xi32>,
      %swap3A_98 = arith.constant 0 : i32
      %swap3A_99 = arith.index_cast %swap3A_98 : i32 to index
      %swap3A_100 = arith.index_cast %scan3A_93 : i32 to index
      %swap3A_101 = arith.constant 16 : index
      %swap3A_102 = tpu.vector_load %arg5[%swap3A_99, %swap3A_100, %swap3A_101] {strides = array<i32>} : memref<1x26x1000xi32, #tpu.memory_space<vmem>>, vector<16xi32>,
      tpu.vector_store %arg5[%swap3A_99, %swap3A_100, %swap3A_101], %broadcast_in_dim3A_5 {strides = array<i32>} : memref<1x26x1000xi32, #tpu.memory_space<vmem>>, vector<16xi32>,
      %swap3A_103 = arith.constant 0 : i32
      %swap3A_104 = arith.index_cast %swap3A_103 : i32 to index
      %swap3A_105 = arith.index_cast %scan3A_93 : i32 to index
      %swap3A_106 = arith.constant 32 : index
      %swap3A_107 = tpu.vector_load %arg5[%swap3A_104, %swap3A_105, %swap3A_106] {strides = array<i32>} : memref<1x26x1000xi32, #tpu.memory_space<vmem>>, vector<16xi32>,
      tpu.vector_store %arg5[%swap3A_104, %swap3A_105, %swap3A_106], %broadcast_in_dim3A_5 {strides = array<i32>} : memref<1x26x1000xi32, #tpu.memory_space<vmem>>, vector<16xi32>,
      %swap3A_108 = arith.constant 0 : i32
      %swap3A_109 = arith.index_cast %swap3A_108 : i32 to index
      %swap3A_110 = arith.index_cast %scan3A_93 : i32 to index
      %swap3A_111 = arith.constant 48 : index
      %swap3A_112 = tpu.vector_load %arg5[%swap3A_109, %swap3A_110, %swap3A_111] {strides = array<i32>} : memref<1x26x1000xi32, #tpu.memory_space<vmem>>, vector<16xi32>,
      tpu.vector_store %arg5[%swap3A_109, %swap3A_110, %swap3A_111], %broadcast_in_dim3A_5 {strides = array<i32>} : memref<1x26x1000xi32, #tpu.memory_space<vmem>>, vector<16xi32>,
      %swap3A_113 = arith.constant 0 : i32
      %swap3A_114 = arith.index_cast %swap3A_113 : i32 to index
      %swap3A_115 = arith.index_cast %scan3A_93 : i32 to index
      %swap3A_116 = arith.constant 64 : index
      %swap3A_117 = tpu.vector_load %arg5[%swap3A_114, %swap3A_115, %swap3A_116] {strides = array<i32>} : memref<1x26x1000xi32, #tpu.memory_space<vmem>>, vector<16xi32>,
      tpu.vector_store %arg5[%swap3A_114, %swap3A_115, %swap3A_116], %broadcast_in_dim3A_5 {strides = array<i32>} : memref<1x26x1000xi32, #tpu.memory_space<vmem>>, vector<16xi32>,
      %swap3A_118 = arith.constant 0 : i32
      %swap3A_119 = arith.index_cast %swap3A_118 : i32 to index
      %swap3A_120 = arith.index_cast %scan3A_93 : i32 to index
      %swap3A_121 = arith.constant 80 : index
      %swap3A_122 = tpu.vector_load %arg5[%swap3A_119, %swap3A_120, %swap3A_121] {strides = array<i32>} : memref<1x26x1000xi32, #tpu.memory_space<vmem>>, vector<16xi32>,
      tpu.vector_store %arg5[%swap3A_119, %swap3A_120, %swap3A_121], %broadcast_in_dim3A_5 {strides = array<i32>} : memref<1x26x1000xi32, #tpu.memory_space<vmem>>, vector<16xi32>,
      %swap3A_123 = arith.constant 0 : i32
      %swap3A_124 = arith.index_cast %swap3A_123 : i32 to index
      %swap3A_125 = arith.index_cast %scan3A_93 : i32 to index
      %swap3A_126 = arith.constant 96 : index
      %swap3A_127 = tpu.vector_load %arg5[%swap3A_124, %swap3A_125, %swap3A_126] {strides = array<i32>} : memref<1x26x1000xi32, #tpu.memory_space<vmem>>, vector<16xi32>,
      tpu.vector_store %arg5[%swap3A_124, %swap3A_125, %swap3A_126], %broadcast_in_dim3A_5 {strides = array<i32>} : memref<1x26x1000xi32, #tpu.memory_space<vmem>>, vector<16xi32>,
      %swap3A_128 = arith.constant 0 : i32
      %swap3A_129 = arith.index_cast %swap3A_128 : i32 to index
      %swap3A_130 = arith.index_cast %scan3A_93 : i32 to index
      %swap3A_131 = arith.constant 112 : index
      %swap3A_132 = tpu.vector_load %arg5[%swap3A_129, %swap3A_130, %swap3A_131] {strides = array<i32>} : memref<1x26x1000xi32, #tpu.memory_space<vmem>>, vector<16xi32>,
      tpu.vector_store %arg5[%swap3A_129, %swap3A_130, %swap3A_131], %broadcast_in_dim3A_5 {strides = array<i32>} : memref<1x26x1000xi32, #tpu.memory_space<vmem>>, vector<16xi32>,
      %swap3A_133 = arith.constant 0 : i32
      %swap3A_134 = arith.index_cast %swap3A_133 : i32 to index
      %swap3A_135 = arith.index_cast %scan3A_93 : i32 to index
      %swap3A_136 = arith.constant 128 : index
      %swap3A_137 = tpu.vector_load %arg5[%swap3A_134, %swap3A_135, %swap3A_136] {strides = array<i32>} : memref<1x26x1000xi32, #tpu.memory_space<vmem>>, vector<16xi32>,
      tpu.vector_store %arg5[%swap3A_134, %swap3A_135, %swap3A_136], %broadcast_in_dim3A_5 {strides = array<i32>} : memref<1x26x1000xi32, #tpu.memory_space<vmem>>, vector<16xi32>,
      %swap3A_138 = arith.constant 0 : i32
      %swap3A_139 = arith.index_cast %swap3A_138 : i32 to index
      %swap3A_140 = arith.index_cast %scan3A_93 : i32 to index
      %swap3A_141 = arith.constant 144 : index
      %swap3A_142 = tpu.vector_load %arg5[%swap3A_139, %swap3A_140, %swap3A_141] {strides = array<i32>} : memref<1x26x1000xi32, #tpu.memory_space<vmem>>, vector<16xi32>,
      tpu.vector_store %arg5[%swap3A_139, %swap3A_140, %swap3A_141], %broadcast_in_dim3A_5 {strides = array<i32>} : memref<1x26x1000xi32, #tpu.memory_space<vmem>>, vector<16xi32>,
      %swap3A_143 = arith.constant 0 : i32
      %swap3A_144 = arith.index_cast %swap3A_143 : i32 to index
      %swap3A_145 = arith.index_cast %scan3A_93 : i32 to index
      %swap3A_146 = arith.constant 160 : index
      %swap3A_147 = tpu.vector_load %arg5[%swap3A_144, %swap3A_145, %swap3A_146] {strides = array<i32>} : memref<1x26x1000xi32, #tpu.memory_space<vmem>>, vector<16xi32>,
      tpu.vector_store %arg5[%swap3A_144, %swap3A_145, %swap3A_146], %broadcast_in_dim3A_5 {strides = array<i32>} : memref<1x26x1000xi32, #tpu.memory_space<vmem>>, vector<16xi32>,
      %swap3A_148 = arith.constant 0 : i32
      %swap3A_149 = arith.index_cast %swap3A_148 : i32 to index
      %swap3A_150 = arith.index_cast %scan3A_93 : i32 to index
      %swap3A_151 = arith.constant 176 : index
      %swap3A_152 = tpu.vector_load %arg5[%swap3A_149, %swap3A_150, %swap3A_151] {strides = array<i32>} : memref<1x26x1000xi32, #tpu.memory_space<vmem>>, vector<16xi32>,
      tpu.vector_store %arg5[%swap3A_149, %swap3A_150, %swap3A_151], %broadcast_in_dim3A_5 {strides = array<i32>} : memref<1x26x1000xi32, #tpu.memory_space<vmem>>, vector<16xi32>,
      %swap3A_153 = arith.constant 0 : i32
      %swap3A_154 = arith.index_cast %swap3A_153 : i32 to index
      %swap3A_155 = arith.index_cast %scan3A_93 : i32 to index
      %swap3A_156 = arith.constant 192 : index
      %swap3A_157 = tpu.vector_load %arg5[%swap3A_154, %swap3A_155, %swap3A_156] {strides = array<i32>} : memref<1x26x1000xi32, #tpu.memory_space<vmem>>, vector<16xi32>,
      tpu.vector_store %arg5[%swap3A_154, %swap3A_155, %swap3A_156], %broadcast_in_dim3A_5 {strides = array<i32>} : memref<1x26x1000xi32, #tpu.memory_space<vmem>>, vector<16xi32>,
      %swap3A_158 = arith.constant 0 : i32
      %swap3A_159 = arith.index_cast %swap3A_158 : i32 to index
      %swap3A_160 = arith.index_cast %scan3A_93 : i32 to index
      %swap3A_161 = arith.constant 208 : index
      %swap3A_162 = tpu.vector_load %arg5[%swap3A_159, %swap3A_160, %swap3A_161] {strides = array<i32>} : memref<1x26x1000xi32, #tpu.memory_space<vmem>>, vector<16xi32>,
      tpu.vector_store %arg5[%swap3A_159, %swap3A_160, %swap3A_161], %broadcast_in_dim3A_5 {strides = array<i32>} : memref<1x26x1000xi32, #tpu.memory_space<vmem>>, vector<16xi32>,
      %swap3A_163 = arith.constant 0 : i32
      %swap3A_164 = arith.index_cast %swap3A_163 : i32 to index
      %swap3A_165 = arith.index_cast %scan3A_93 : i32 to index
      %swap3A_166 = arith.constant 224 : index
      %swap3A_167 = tpu.vector_load %arg5[%swap3A_164, %swap3A_165, %swap3A_166] {strides = array<i32>} : memref<1x26x1000xi32, #tpu.memory_space<vmem>>, vector<16xi32>,
      tpu.vector_store %arg5[%swap3A_164, %swap3A_165, %swap3A_166], %broadcast_in_dim3A_5 {strides = array<i32>} : memref<1x26x1000xi32, #tpu.memory_space<vmem>>, vector<16xi32>,
      %swap3A_168 = arith.constant 0 : i32
      %swap3A_169 = arith.index_cast %swap3A_168 : i32 to index
      %swap3A_170 = arith.index_cast %scan3A_93 : i32 to index
      %swap3A_171 = arith.constant 240 : index
      %swap3A_172 = tpu.vector_load %arg5[%swap3A_169, %swap3A_170, %swap3A_171] {strides = array<i32>} : memref<1x26x1000xi32, #tpu.memory_space<vmem>>, vector<16xi32>,
      tpu.vector_store %arg5[%swap3A_169, %swap3A_170, %swap3A_171], %broadcast_in_dim3A_5 {strides = array<i32>} : memref<1x26x1000xi32, #tpu.memory_space<vmem>>, vector<16xi32>,
      %swap3A_173 = arith.constant 0 : i32
      %swap3A_174 = arith.index_cast %swap3A_173 : i32 to index
      %swap3A_175 = arith.index_cast %scan3A_93 : i32 to index
      %swap3A_176 = arith.constant 256 : index
      %swap3A_177 = tpu.vector_load %arg5[%swap3A_174, %swap3A_175, %swap3A_176] {strides = array<i32>} : memref<1x26x1000xi32, #tpu.memory_space<vmem>>, vector<16xi32>,
      tpu.vector_store %arg5[%swap3A_174, %swap3A_175, %swap3A_176], %broadcast_in_dim3A_5 {strides = array<i32>} : memref<1x26x1000xi32, #tpu.memory_space<vmem>>, vector<16xi32>,
      %swap3A_178 = arith.constant 0 : i32
      %swap3A_179 = arith.index_cast %swap3A_178 : i32 to index
      %swap3A_180 = arith.index_cast %scan3A_93 : i32 to index
      %swap3A_181 = arith.constant 272 : index
      %swap3A_182 = tpu.vector_load %arg5[%swap3A_179, %swap3A_180, %swap3A_181] {strides = array<i32>} : memref<1x26x1000xi32, #tpu.memory_space<vmem>>, vector<16xi32>,
      tpu.vector_store %arg5[%swap3A_179, %swap3A_180, %swap3A_181], %broadcast_in_dim3A_5 {strides = array<i32>} : memref<1x26x1000xi32, #tpu.memory_space<vmem>>, vector<16xi32>,
      %swap3A_183 = arith.constant 0 : i32
      %swap3A_184 = arith.index_cast %swap3A_183 : i32 to index
      %swap3A_185 = arith.index_cast %scan3A_93 : i32 to index
      %swap3A_186 = arith.constant 288 : index
      %swap3A_187 = tpu.vector_load %arg5[%swap3A_184, %swap3A_185, %swap3A_186] {strides = array<i32>} : memref<1x26x1000xi32, #tpu.memory_space<vmem>>, vector<16xi32>,
      tpu.vector_store %arg5[%swap3A_184, %swap3A_185, %swap3A_186], %broadcast_in_dim3A_5 {strides = array<i32>} : memref<1x26x1000xi32, #tpu.memory_space<vmem>>, vector<16xi32>,
      %swap3A_188 = arith.constant 0 : i32
      %swap3A_189 = arith.index_cast %swap3A_188 : i32 to index
      %swap3A_190 = arith.index_cast %scan3A_93 : i32 to index
      %swap3A_191 = arith.constant 304 : index
      %swap3A_192 = tpu.vector_load %arg5[%swap3A_189, %swap3A_190, %swap3A_191] {strides = array<i32>} : memref<1x26x1000xi32, #tpu.memory_space<vmem>>, vector<16xi32>,
      tpu.vector_store %arg5[%swap3A_189, %swap3A_190, %swap3A_191], %broadcast_in_dim3A_5 {strides = array<i32>} : memref<1x26x1000xi32, #tpu.memory_space<vmem>>, vector<16xi32>,
      %swap3A_193 = arith.constant 0 : i32
      %swap3A_194 = arith.index_cast %swap3A_193 : i32 to index
      %swap3A_195 = arith.index_cast %scan3A_93 : i32 to index
      %swap3A_196 = arith.constant 320 : index
      %swap3A_197 = tpu.vector_load %arg5[%swap3A_194, %swap3A_195, %swap3A_196] {strides = array<i32>} : memref<1x26x1000xi32, #tpu.memory_space<vmem>>, vector<16xi32>,
      tpu.vector_store %arg5[%swap3A_194, %swap3A_195, %swap3A_196], %broadcast_in_dim3A_5 {strides = array<i32>} : memref<1x26x1000xi32, #tpu.memory_space<vmem>>, vector<16xi32>,
      %swap3A_198 = arith.constant 0 : i32
      %swap3A_199 = arith.index_cast %swap3A_198 : i32 to index
      %swap3A_200 = arith.index_cast %scan3A_93 : i32 to index
      %swap3A_201 = arith.constant 336 : index
      %swap3A_202 = tpu.vector_load %arg5[%swap3A_199, %swap3A_200, %swap3A_201] {strides = array<i32>} : memref<1x26x1000xi32, #tpu.memory_space<vmem>>, vector<16xi32>,
      tpu.vector_store %arg5[%swap3A_199, %swap3A_200, %swap3A_201], %broadcast_in_dim3A_5 {strides = array<i32>} : memref<1x26x1000xi32, #tpu.memory_space<vmem>>, vector<16xi32>,
      %swap3A_203 = arith.constant 0 : i32
      %swap3A_204 = arith.index_cast %swap3A_203 : i32 to index
      %swap3A_205 = arith.index_cast %scan3A_93 : i32 to index
      %swap3A_206 = arith.constant 352 : index
      %swap3A_207 = tpu.vector_load %arg5[%swap3A_204, %swap3A_205, %swap3A_206] {strides = array<i32>} : memref<1x26x1000xi32, #tpu.memory_space<vmem>>, vector<16xi32>,
      tpu.vector_store %arg5[%swap3A_204, %swap3A_205, %swap3A_206], %broadcast_in_dim3A_5 {strides = array<i32>} : memref<1x26x1000xi32, #tpu.memory_space<vmem>>, vector<16xi32>,
      %swap3A_208 = arith.constant 0 : i32
      %swap3A_209 = arith.index_cast %swap3A_208 : i32 to index
      %swap3A_210 = arith.index_cast %scan3A_93 : i32 to index
      %swap3A_211 = arith.constant 368 : index
      %swap3A_212 = tpu.vector_load %arg5[%swap3A_209, %swap3A_210, %swap3A_211] {strides = array<i32>} : memref<1x26x1000xi32, #tpu.memory_space<vmem>>, vector<16xi32>,
      tpu.vector_store %arg5[%swap3A_209, %swap3A_210, %swap3A_211], %broadcast_in_dim3A_5 {strides = array<i32>} : memref<1x26x1000xi32, #tpu.memory_space<vmem>>, vector<16xi32>,
      %swap3A_213 = arith.constant 0 : i32
      %swap3A_214 = arith.index_cast %swap3A_213 : i32 to index
      %swap3A_215 = arith.index_cast %scan3A_93 : i32 to index
      %swap3A_216 = arith.constant 384 : index
      %swap3A_217 = tpu.vector_load %arg5[%swap3A_214, %swap3A_215, %swap3A_216] {strides = array<i32>} : memref<1x26x1000xi32, #tpu.memory_space<vmem>>, vector<16xi32>,
      tpu.vector_store %arg5[%swap3A_214, %swap3A_215, %swap3A_216], %broadcast_in_dim3A_5 {strides = array<i32>} : memref<1x26x1000xi32, #tpu.memory_space<vmem>>, vector<16xi32>,
      %swap3A_218 = arith.constant 0 : i32
      %swap3A_219 = arith.index_cast %swap3A_218 : i32 to index
      %swap3A_220 = arith.index_cast %scan3A_93 : i32 to index
      %swap3A_221 = arith.constant 400 : index
      %swap3A_222 = tpu.vector_load %arg5[%swap3A_219, %swap3A_220, %swap3A_221] {strides = array<i32>} : memref<1x26x1000xi32, #tpu.memory_space<vmem>>, vector<16xi32>,
      tpu.vector_store %arg5[%swap3A_219, %swap3A_220, %swap3A_221], %broadcast_in_dim3A_5 {strides = array<i32>} : memref<1x26x1000xi32, #tpu.memory_space<vmem>>, vector<16xi32>,
      %swap3A_223 = arith.constant 0 : i32
      %swap3A_224 = arith.index_cast %swap3A_223 : i32 to index
      %swap3A_225 = arith.index_cast %scan3A_93 : i32 to index
      %swap3A_226 = arith.constant 416 : index
      %swap3A_227 = tpu.vector_load %arg5[%swap3A_224, %swap3A_225, %swap3A_226] {strides = array<i32>} : memref<1x26x1000xi32, #tpu.memory_space<vmem>>, vector<16xi32>,
      tpu.vector_store %arg5[%swap3A_224, %swap3A_225, %swap3A_226], %broadcast_in_dim3A_5 {strides = array<i32>} : memref<1x26x1000xi32, #tpu.memory_space<vmem>>, vector<16xi32>,
      %swap3A_228 = arith.constant 0 : i32
      %swap3A_229 = arith.index_cast %swap3A_228 : i32 to index
      %swap3A_230 = arith.index_cast %scan3A_93 : i32 to index
      %swap3A_231 = arith.constant 432 : index
      %swap3A_232 = tpu.vector_load %arg5[%swap3A_229, %swap3A_230, %swap3A_231] {strides = array<i32>} : memref<1x26x1000xi32, #tpu.memory_space<vmem>>, vector<16xi32>,
      tpu.vector_store %arg5[%swap3A_229, %swap3A_230, %swap3A_231], %broadcast_in_dim3A_5 {strides = array<i32>} : memref<1x26x1000xi32, #tpu.memory_space<vmem>>, vector<16xi32>,
      %swap3A_233 = arith.constant 0 : i32
      %swap3A_234 = arith.index_cast %swap3A_233 : i32 to index
      %swap3A_235 = arith.index_cast %scan3A_93 : i32 to index
      %swap3A_236 = arith.constant 448 : index
      %swap3A_237 = tpu.vector_load %arg5[%swap3A_234, %swap3A_235, %swap3A_236] {strides = array<i32>} : memref<1x26x1000xi32, #tpu.memory_space<vmem>>, vector<16xi32>,
      tpu.vector_store %arg5[%swap3A_234, %swap3A_235, %swap3A_236], %broadcast_in_dim3A_5 {strides = array<i32>} : memref<1x26x1000xi32, #tpu.memory_space<vmem>>, vector<16xi32>,
      %swap3A_238 = arith.constant 0 : i32
      %swap3A_239 = arith.index_cast %swap3A_238 : i32 to index
      %swap3A_240 = arith.index_cast %scan3A_93 : i32 to index
      %swap3A_241 = arith.constant 464 : index
      %swap3A_242 = tpu.vector_load %arg5[%swap3A_239, %swap3A_240, %swap3A_241] {strides = array<i32>} : memref<1x26x1000xi32, #tpu.memory_space<vmem>>, vector<16xi32>,
      tpu.vector_store %arg5[%swap3A_239, %swap3A_240, %swap3A_241], %broadcast_in_dim3A_5 {strides = array<i32>} : memref<1x26x1000xi32, #tpu.memory_space<vmem>>, vector<16xi32>,
      %swap3A_243 = arith.constant 0 : i32
      %swap3A_244 = arith.index_cast %swap3A_243 : i32 to index
      %swap3A_245 = arith.index_cast %scan3A_93 : i32 to index
      %swap3A_246 = arith.constant 480 : index
      %swap3A_247 = tpu.vector_load %arg5[%swap3A_244, %swap3A_245, %swap3A_246] {strides = array<i32>} : memref<1x26x1000xi32, #tpu.memory_space<vmem>>, vector<16xi32>,
      tpu.vector_store %arg5[%swap3A_244, %swap3A_245, %swap3A_246], %broadcast_in_dim3A_5 {strides = array<i32>} : memref<1x26x1000xi32, #tpu.memory_space<vmem>>, vector<16xi32>,
      %swap3A_248 = arith.constant 0 : i32
      %swap3A_249 = arith.index_cast %swap3A_248 : i32 to index
      %swap3A_250 = arith.index_cast %scan3A_93 : i32 to index
      %swap3A_251 = arith.constant 496 : index
      %swap3A_252 = tpu.vector_load %arg5[%swap3A_249, %swap3A_250, %swap3A_251] {strides = array<i32>} : memref<1x26x1000xi32, #tpu.memory_space<vmem>>, vector<16xi32>,
      tpu.vector_store %arg5[%swap3A_249, %swap3A_250, %swap3A_251], %broadcast_in_dim3A_5 {strides = array<i32>} : memref<1x26x1000xi32, #tpu.memory_space<vmem>>, vector<16xi32>,
      %swap3A_253 = arith.constant 0 : i32
      %swap3A_254 = arith.index_cast %swap3A_253 : i32 to index
      %swap3A_255 = arith.index_cast %scan3A_93 : i32 to index
      %swap3A_256 = arith.constant 512 : index
      %swap3A_257 = tpu.vector_load %arg5[%swap3A_254, %swap3A_255, %swap3A_256] {strides = array<i32>} : memref<1x26x1000xi32, #tpu.memory_space<vmem>>, vector<16xi32>,
      tpu.vector_store %arg5[%swap3A_254, %swap3A_255, %swap3A_256], %broadcast_in_dim3A_5 {strides = array<i32>} : memref<1x26x1000xi32, #tpu.memory_space<vmem>>, vector<16xi32>,
      %swap3A_258 = arith.constant 0 : i32
      %swap3A_259 = arith.index_cast %swap3A_258 : i32 to index
      %swap3A_260 = arith.index_cast %scan3A_93 : i32 to index
      %swap3A_261 = arith.constant 528 : index
      %swap3A_262 = tpu.vector_load %arg5[%swap3A_259, %swap3A_260, %swap3A_261] {strides = array<i32>} : memref<1x26x1000xi32, #tpu.memory_space<vmem>>, vector<16xi32>,
      tpu.vector_store %arg5[%swap3A_259, %swap3A_260, %swap3A_261], %broadcast_in_dim3A_5 {strides = array<i32>} : memref<1x26x1000xi32, #tpu.memory_space<vmem>>, vector<16xi32>,
      %swap3A_263 = arith.constant 0 : i32
      %swap3A_264 = arith.index_cast %swap3A_263 : i32 to index
      %swap3A_265 = arith.index_cast %scan3A_93 : i32 to index
      %swap3A_266 = arith.constant 544 : index
      %swap3A_267 = tpu.vector_load %arg5[%swap3A_264, %swap3A_265, %swap3A_266] {strides = array<i32>} : memref<1x26x1000xi32, #tpu.memory_space<vmem>>, vector<16xi32>,
      tpu.vector_store %arg5[%swap3A_264, %swap3A_265, %swap3A_266], %broadcast_in_dim3A_5 {strides = array<i32>} : memref<1x26x1000xi32, #tpu.memory_space<vmem>>, vector<16xi32>,
      %swap3A_268 = arith.constant 0 : i32
      %swap3A_269 = arith.index_cast %swap3A_268 : i32 to index
      %swap3A_270 = arith.index_cast %scan3A_93 : i32 to index
      %swap3A_271 = arith.constant 560 : index
      %swap3A_272 = tpu.vector_load %arg5[%swap3A_269, %swap3A_270, %swap3A_271] {strides = array<i32>} : memref<1x26x1000xi32, #tpu.memory_space<vmem>>, vector<16xi32>,
      tpu.vector_store %arg5[%swap3A_269, %swap3A_270, %swap3A_271], %broadcast_in_dim3A_5 {strides = array<i32>} : memref<1x26x1000xi32, #tpu.memory_space<vmem>>, vector<16xi32>,
      %swap3A_273 = arith.constant 0 : i32
      %swap3A_274 = arith.index_cast %swap3A_273 : i32 to index
      %swap3A_275 = arith.index_cast %scan3A_93 : i32 to index
      %swap3A_276 = arith.constant 576 : index
      %swap3A_277 = tpu.vector_load %arg5[%swap3A_274, %swap3A_275, %swap3A_276] {strides = array<i32>} : memref<1x26x1000xi32, #tpu.memory_space<vmem>>, vector<16xi32>,
      tpu.vector_store %arg5[%swap3A_274, %swap3A_275, %swap3A_276], %broadcast_in_dim3A_5 {strides = array<i32>} : memref<1x26x1000xi32, #tpu.memory_space<vmem>>, vector<16xi32>,
      %swap3A_278 = arith.constant 0 : i32
      %swap3A_279 = arith.index_cast %swap3A_278 : i32 to index
      %swap3A_280 = arith.index_cast %scan3A_93 : i32 to index
      %swap3A_281 = arith.constant 592 : index
      %swap3A_282 = tpu.vector_load %arg5[%swap3A_279, %swap3A_280, %swap3A_281] {strides = array<i32>} : memref<1x26x1000xi32, #tpu.memory_space<vmem>>, vector<16xi32>,
      tpu.vector_store %arg5[%swap3A_279, %swap3A_280, %swap3A_281], %broadcast_in_dim3A_5 {strides = array<i32>} : memref<1x26x1000xi32, #tpu.memory_space<vmem>>, vector<16xi32>,
      %swap3A_283 = arith.constant 0 : i32
      %swap3A_284 = arith.index_cast %swap3A_283 : i32 to index
      %swap3A_285 = arith.index_cast %scan3A_93 : i32 to index
      %swap3A_286 = arith.constant 608 : index
      %swap3A_287 = tpu.vector_load %arg5[%swap3A_284, %swap3A_285, %swap3A_286] {strides = array<i32>} : memref<1x26x1000xi32, #tpu.memory_space<vmem>>, vector<16xi32>,
      tpu.vector_store %arg5[%swap3A_284, %swap3A_285, %swap3A_286], %broadcast_in_dim3A_5 {strides = array<i32>} : memref<1x26x1000xi32, #tpu.memory_space<vmem>>, vector<16xi32>,
      %swap3A_288 = arith.constant 0 : i32
      %swap3A_289 = arith.index_cast %swap3A_288 : i32 to index
      %swap3A_290 = arith.index_cast %scan3A_93 : i32 to index
      %swap3A_291 = arith.constant 624 : index
      %swap3A_292 = tpu.vector_load %arg5[%swap3A_289, %swap3A_290, %swap3A_291] {strides = array<i32>} : memref<1x26x1000xi32, #tpu.memory_space<vmem>>, vector<16xi32>,
      tpu.vector_store %arg5[%swap3A_289, %swap3A_290, %swap3A_291], %broadcast_in_dim3A_5 {strides = array<i32>} : memref<1x26x1000xi32, #tpu.memory_space<vmem>>, vector<16xi32>,
      %swap3A_293 = arith.constant 0 : i32
      %swap3A_294 = arith.index_cast %swap3A_293 : i32 to index
      %swap3A_295 = arith.index_cast %scan3A_93 : i32 to index
      %swap3A_296 = arith.constant 640 : index
      %swap3A_297 = tpu.vector_load %arg5[%swap3A_294, %swap3A_295, %swap3A_296] {strides = array<i32>} : memref<1x26x1000xi32, #tpu.memory_space<vmem>>, vector<16xi32>,
      tpu.vector_store %arg5[%swap3A_294, %swap3A_295, %swap3A_296], %broadcast_in_dim3A_5 {strides = array<i32>} : memref<1x26x1000xi32, #tpu.memory_space<vmem>>, vector<16xi32>,
      %swap3A_298 = arith.constant 0 : i32
      %swap3A_299 = arith.index_cast %swap3A_298 : i32 to index
      %swap3A_300 = arith.index_cast %scan3A_93 : i32 to index
      %swap3A_301 = arith.constant 656 : index
      %swap3A_302 = tpu.vector_load %arg5[%swap3A_299, %swap3A_300, %swap3A_301] {strides = array<i32>} : memref<1x26x1000xi32, #tpu.memory_space<vmem>>, vector<16xi32>,
      tpu.vector_store %arg5[%swap3A_299, %swap3A_300, %swap3A_301], %broadcast_in_dim3A_5 {strides = array<i32>} : memref<1x26x1000xi32, #tpu.memory_space<vmem>>, vector<16xi32>,
      %swap3A_303 = arith.constant 0 : i32
      %swap3A_304 = arith.index_cast %swap3A_303 : i32 to index
      %swap3A_305 = arith.index_cast %scan3A_93 : i32 to index
      %swap3A_306 = arith.constant 672 : index
      %swap3A_307 = tpu.vector_load %arg5[%swap3A_304, %swap3A_305, %swap3A_306] {strides = array<i32>} : memref<1x26x1000xi32, #tpu.memory_space<vmem>>, vector<16xi32>,
      tpu.vector_store %arg5[%swap3A_304, %swap3A_305, %swap3A_306], %broadcast_in_dim3A_5 {strides = array<i32>} : memref<1x26x1000xi32, #tpu.memory_space<vmem>>, vector<16xi32>,
      %swap3A_308 = arith.constant 0 : i32
      %swap3A_309 = arith.index_cast %swap3A_308 : i32 to index
      %swap3A_310 = arith.index_cast %scan3A_93 : i32 to index
      %swap3A_311 = arith.constant 688 : index
      %swap3A_312 = tpu.vector_load %arg5[%swap3A_309, %swap3A_310, %swap3A_311] {strides = array<i32>} : memref<1x26x1000xi32, #tpu.memory_space<vmem>>, vector<16xi32>,
      tpu.vector_store %arg5[%swap3A_309, %swap3A_310, %swap3A_311], %broadcast_in_dim3A_5 {strides = array<i32>} : memref<1x26x1000xi32, #tpu.memory_space<vmem>>, vector<16xi32>,
      %swap3A_313 = arith.constant 0 : i32
      %swap3A_314 = arith.index_cast %swap3A_313 : i32 to index
      %swap3A_315 = arith.index_cast %scan3A_93 : i32 to index
      %swap3A_316 = arith.constant 704 : index
      %swap3A_317 = tpu.vector_load %arg5[%swap3A_314, %swap3A_315, %swap3A_316] {strides = array<i32>} : memref<1x26x1000xi32, #tpu.memory_space<vmem>>, vector<16xi32>,
      tpu.vector_store %arg5[%swap3A_314, %swap3A_315, %swap3A_316], %broadcast_in_dim3A_5 {strides = array<i32>} : memref<1x26x1000xi32, #tpu.memory_space<vmem>>, vector<16xi32>,
      %swap3A_318 = arith.constant 0 : i32
      %swap3A_319 = arith.index_cast %swap3A_318 : i32 to index
      %swap3A_320 = arith.index_cast %scan3A_93 : i32 to index
      %swap3A_321 = arith.constant 720 : index
      %swap3A_322 = tpu.vector_load %arg5[%swap3A_319, %swap3A_320, %swap3A_321] {strides = array<i32>} : memref<1x26x1000xi32, #tpu.memory_space<vmem>>, vector<16xi32>,
      tpu.vector_store %arg5[%swap3A_319, %swap3A_320, %swap3A_321], %broadcast_in_dim3A_5 {strides = array<i32>} : memref<1x26x1000xi32, #tpu.memory_space<vmem>>, vector<16xi32>,
      %swap3A_323 = arith.constant 0 : i32
      %swap3A_324 = arith.index_cast %swap3A_323 : i32 to index
      %swap3A_325 = arith.index_cast %scan3A_93 : i32 to index
      %swap3A_326 = arith.constant 736 : index
      %swap3A_327 = tpu.vector_load %arg5[%swap3A_324, %swap3A_325, %swap3A_326] {strides = array<i32>} : memref<1x26x1000xi32, #tpu.memory_space<vmem>>, vector<16xi32>,
      tpu.vector_store %arg5[%swap3A_324, %swap3A_325, %swap3A_326], %broadcast_in_dim3A_5 {strides = array<i32>} : memref<1x26x1000xi32, #tpu.memory_space<vmem>>, vector<16xi32>,
      %swap3A_328 = arith.constant 0 : i32
      %swap3A_329 = arith.index_cast %swap3A_328 : i32 to index
      %swap3A_330 = arith.index_cast %scan3A_93 : i32 to index
      %swap3A_331 = arith.constant 752 : index
      %swap3A_332 = tpu.vector_load %arg5[%swap3A_329, %swap3A_330, %swap3A_331] {strides = array<i32>} : memref<1x26x1000xi32, #tpu.memory_space<vmem>>, vector<16xi32>,
      tpu.vector_store %arg5[%swap3A_329, %swap3A_330, %swap3A_331], %broadcast_in_dim3A_5 {strides = array<i32>} : memref<1x26x1000xi32, #tpu.memory_space<vmem>>, vector<16xi32>,
      %swap3A_333 = arith.constant 0 : i32
      %swap3A_334 = arith.index_cast %swap3A_333 : i32 to index
      %swap3A_335 = arith.index_cast %scan3A_93 : i32 to index
      %swap3A_336 = arith.constant 768 : index
      %swap3A_337 = tpu.vector_load %arg5[%swap3A_334, %swap3A_335, %swap3A_336] {strides = array<i32>} : memref<1x26x1000xi32, #tpu.memory_space<vmem>>, vector<16xi32>,
      tpu.vector_store %arg5[%swap3A_334, %swap3A_335, %swap3A_336], %broadcast_in_dim3A_5 {strides = array<i32>} : memref<1x26x1000xi32, #tpu.memory_space<vmem>>, vector<16xi32>,
      %swap3A_338 = arith.constant 0 : i32
      %swap3A_339 = arith.index_cast %swap3A_338 : i32 to index
      %swap3A_340 = arith.index_cast %scan3A_93 : i32 to index
      %swap3A_341 = arith.constant 784 : index
      %swap3A_342 = tpu.vector_load %arg5[%swap3A_339, %swap3A_340, %swap3A_341] {strides = array<i32>} : memref<1x26x1000xi32, #tpu.memory_space<vmem>>, vector<16xi32>,
      tpu.vector_store %arg5[%swap3A_339, %swap3A_340, %swap3A_341], %broadcast_in_dim3A_5 {strides = array<i32>} : memref<1x26x1000xi32, #tpu.memory_space<vmem>>, vector<16xi32>,
      %swap3A_343 = arith.constant 0 : i32
      %swap3A_344 = arith.index_cast %swap3A_343 : i32 to index
      %swap3A_345 = arith.index_cast %scan3A_93 : i32 to index
      %swap3A_346 = arith.constant 800 : index
      %swap3A_347 = tpu.vector_load %arg5[%swap3A_344, %swap3A_345, %swap3A_346] {strides = array<i32>} : memref<1x26x1000xi32, #tpu.memory_space<vmem>>, vector<16xi32>,
      tpu.vector_store %arg5[%swap3A_344, %swap3A_345, %swap3A_346], %broadcast_in_dim3A_5 {strides = array<i32>} : memref<1x26x1000xi32, #tpu.memory_space<vmem>>, vector<16xi32>,
      %swap3A_348 = arith.constant 0 : i32
      %swap3A_349 = arith.index_cast %swap3A_348 : i32 to index
      %swap3A_350 = arith.index_cast %scan3A_93 : i32 to index
      %swap3A_351 = arith.constant 816 : index
      %swap3A_352 = tpu.vector_load %arg5[%swap3A_349, %swap3A_350, %swap3A_351] {strides = array<i32>} : memref<1x26x1000xi32, #tpu.memory_space<vmem>>, vector<16xi32>,
      tpu.vector_store %arg5[%swap3A_349, %swap3A_350, %swap3A_351], %broadcast_in_dim3A_5 {strides = array<i32>} : memref<1x26x1000xi32, #tpu.memory_space<vmem>>, vector<16xi32>,
      %swap3A_353 = arith.constant 0 : i32
      %swap3A_354 = arith.index_cast %swap3A_353 : i32 to index
      %swap3A_355 = arith.index_cast %scan3A_93 : i32 to index
      %swap3A_356 = arith.constant 832 : index
      %swap3A_357 = tpu.vector_load %arg5[%swap3A_354, %swap3A_355, %swap3A_356] {strides = array<i32>} : memref<1x26x1000xi32, #tpu.memory_space<vmem>>, vector<16xi32>,
      tpu.vector_store %arg5[%swap3A_354, %swap3A_355, %swap3A_356], %broadcast_in_dim3A_5 {strides = array<i32>} : memref<1x26x1000xi32, #tpu.memory_space<vmem>>, vector<16xi32>,
      %swap3A_358 = arith.constant 0 : i32
      %swap3A_359 = arith.index_cast %swap3A_358 : i32 to index
      %swap3A_360 = arith.index_cast %scan3A_93 : i32 to index
      %swap3A_361 = arith.constant 848 : index
      %swap3A_362 = tpu.vector_load %arg5[%swap3A_359, %swap3A_360, %swap3A_361] {strides = array<i32>} : memref<1x26x1000xi32, #tpu.memory_space<vmem>>, vector<16xi32>,
      tpu.vector_store %arg5[%swap3A_359, %swap3A_360, %swap3A_361], %broadcast_in_dim3A_5 {strides = array<i32>} : memref<1x26x1000xi32, #tpu.memory_space<vmem>>, vector<16xi32>,
      %swap3A_363 = arith.constant 0 : i32
      %swap3A_364 = arith.index_cast %swap3A_363 : i32 to index
      %swap3A_365 = arith.index_cast %scan3A_93 : i32 to index
      %swap3A_366 = arith.constant 864 : index
      %swap3A_367 = tpu.vector_load %arg5[%swap3A_364, %swap3A_365, %swap3A_366] {strides = array<i32>} : memref<1x26x1000xi32, #tpu.memory_space<vmem>>, vector<16xi32>,
      tpu.vector_store %arg5[%swap3A_364, %swap3A_365, %swap3A_366], %broadcast_in_dim3A_5 {strides = array<i32>} : memref<1x26x1000xi32, #tpu.memory_space<vmem>>, vector<16xi32>,
      %swap3A_368 = arith.constant 0 : i32
      %swap3A_369 = arith.index_cast %swap3A_368 : i32 to index
      %swap3A_370 = arith.index_cast %scan3A_93 : i32 to index
      %swap3A_371 = arith.constant 880 : index
      %swap3A_372 = tpu.vector_load %arg5[%swap3A_369, %swap3A_370, %swap3A_371] {strides = array<i32>} : memref<1x26x1000xi32, #tpu.memory_space<vmem>>, vector<16xi32>,
      tpu.vector_store %arg5[%swap3A_369, %swap3A_370, %swap3A_371], %broadcast_in_dim3A_5 {strides = array<i32>} : memref<1x26x1000xi32, #tpu.memory_space<vmem>>, vector<16xi32>,
      %swap3A_373 = arith.constant 0 : i32
      %swap3A_374 = arith.index_cast %swap3A_373 : i32 to index
      %swap3A_375 = arith.index_cast %scan3A_93 : i32 to index
      %swap3A_376 = arith.constant 896 : index
      %swap3A_377 = tpu.vector_load %arg5[%swap3A_374, %swap3A_375, %swap3A_376] {strides = array<i32>} : memref<1x26x1000xi32, #tpu.memory_space<vmem>>, vector<16xi32>,
      tpu.vector_store %arg5[%swap3A_374, %swap3A_375, %swap3A_376], %broadcast_in_dim3A_5 {strides = array<i32>} : memref<1x26x1000xi32, #tpu.memory_space<vmem>>, vector<16xi32>,
      %swap3A_378 = arith.constant 0 : i32
      %swap3A_379 = arith.index_cast %swap3A_378 : i32 to index
      %swap3A_380 = arith.index_cast %scan3A_93 : i32 to index
      %swap3A_381 = arith.constant 912 : index
      %swap3A_382 = tpu.vector_load %arg5[%swap3A_379, %swap3A_380, %swap3A_381] {strides = array<i32>} : memref<1x26x1000xi32, #tpu.memory_space<vmem>>, vector<16xi32>,
      tpu.vector_store %arg5[%swap3A_379, %swap3A_380, %swap3A_381], %broadcast_in_dim3A_5 {strides = array<i32>} : memref<1x26x1000xi32, #tpu.memory_space<vmem>>, vector<16xi32>,
      %swap3A_383 = arith.constant 0 : i32
      %swap3A_384 = arith.index_cast %swap3A_383 : i32 to index
      %swap3A_385 = arith.index_cast %scan3A_93 : i32 to index
      %swap3A_386 = arith.constant 928 : index
      %swap3A_387 = tpu.vector_load %arg5[%swap3A_384, %swap3A_385, %swap3A_386] {strides = array<i32>} : memref<1x26x1000xi32, #tpu.memory_space<vmem>>, vector<16xi32>,
      tpu.vector_store %arg5[%swap3A_384, %swap3A_385, %swap3A_386], %broadcast_in_dim3A_5 {strides = array<i32>} : memref<1x26x1000xi32, #tpu.memory_space<vmem>>, vector<16xi32>,
      %swap3A_388 = arith.constant 0 : i32
      %swap3A_389 = arith.index_cast %swap3A_388 : i32 to index
      %swap3A_390 = arith.index_cast %scan3A_93 : i32 to index
      %swap3A_391 = arith.constant 944 : index
      %swap3A_392 = tpu.vector_load %arg5[%swap3A_389, %swap3A_390, %swap3A_391] {strides = array<i32>} : memref<1x26x1000xi32, #tpu.memory_space<vmem>>, vector<16xi32>,
      tpu.vector_store %arg5[%swap3A_389, %swap3A_390, %swap3A_391], %broadcast_in_dim3A_5 {strides = array<i32>} : memref<1x26x1000xi32, #tpu.memory_space<vmem>>, vector<16xi32>,
      %swap3A_393 = arith.constant 0 : i32
      %swap3A_394 = arith.index_cast %swap3A_393 : i32 to index
      %swap3A_395 = arith.index_cast %scan3A_93 : i32 to index
      %swap3A_396 = arith.constant 960 : index
      %swap3A_397 = tpu.vector_load %arg5[%swap3A_394, %swap3A_395, %swap3A_396] {strides = array<i32>} : memref<1x26x1000xi32, #tpu.memory_space<vmem>>, vector<16xi32>,
      tpu.vector_store %arg5[%swap3A_394, %swap3A_395, %swap3A_396], %broadcast_in_dim3A_5 {strides = array<i32>} : memref<1x26x1000xi32, #tpu.memory_space<vmem>>, vector<16xi32>,
      %swap3A_398 = arith.constant 0 : i32
      %swap3A_399 = arith.index_cast %swap3A_398 : i32 to index
      %swap3A_400 = arith.index_cast %scan3A_93 : i32 to index
      %swap3A_401 = arith.constant 976 : index
      %swap3A_402 = tpu.vector_load %arg5[%swap3A_399, %swap3A_400, %swap3A_401] {strides = array<i32>} : memref<1x26x1000xi32, #tpu.memory_space<vmem>>, vector<16xi32>,
      tpu.vector_store %arg5[%swap3A_399, %swap3A_400, %swap3A_401], %broadcast_in_dim3A_5 {strides = array<i32>} : memref<1x26x1000xi32, #tpu.memory_space<vmem>>, vector<16xi32>,
      %swap3A_403 = arith.constant 0 : i32
      %swap3A_404 = arith.index_cast %swap3A_403 : i32 to index
      %swap3A_405 = arith.index_cast %scan3A_93 : i32 to index
      %swap3A_406 = arith.constant 984 : index
      %swap3A_407 = tpu.vector_load %arg5[%swap3A_404, %swap3A_405, %swap3A_406] {strides = array<i32>} : memref<1x26x1000xi32, #tpu.memory_space<vmem>>, vector<16xi32>,
      tpu.vector_store %arg5[%swap3A_404, %swap3A_405, %swap3A_406], %broadcast_in_dim3A_5 {strides = array<i32>} : memref<1x26x1000xi32, #tpu.memory_space<vmem>>, vector<16xi32>,
    }
    %scan3A_12 = arith.constant 26 : i32
    %scan3A_13 = arith.constant 0 : i32
    %scan3A_14 = arith.constant 0 : i32
    %scan3A_15 = arith.constant 26 : i32
    %scan3A_16 = arith.addi %scan3A_14, %scan3A_15 : i32
    %scan3A_17 = arith.constant 1 : i32
    scf.for %scan3A_93 = %scan3A_14 to %scan3A_16 step %scan3A_17  : i32 {
      %swap3A = arith.constant 0 : i32
      %swap3A_94 = arith.index_cast %swap3A : i32 to index
      %swap3A_95 = arith.index_cast %scan3A_93 : i32 to index
      %swap3A_96 = arith.constant 0 : index
      %swap3A_97 = tpu.vector_load %arg6[%swap3A_94, %swap3A_95, %swap3A_96] {strides = array<i32>} : memref<1x26x1000xi32, #tpu.memory_space<vmem>>, vector<16xi32>,
      tpu.vector_store %arg6[%swap3A_94, %swap3A_95, %swap3A_96], %broadcast_in_dim3A_5 {strides = array<i32>} : memref<1x26x1000xi32, #tpu.memory_space<vmem>>, vector<16xi32>,
      %swap3A_98 = arith.constant 0 : i32
      %swap3A_99 = arith.index_cast %swap3A_98 : i32 to index
      %swap3A_100 = arith.index_cast %scan3A_93 : i32 to index
      %swap3A_101 = arith.constant 16 : index
      %swap3A_102 = tpu.vector_load %arg6[%swap3A_99, %swap3A_100, %swap3A_101] {strides = array<i32>} : memref<1x26x1000xi32, #tpu.memory_space<vmem>>, vector<16xi32>,
      tpu.vector_store %arg6[%swap3A_99, %swap3A_100, %swap3A_101], %broadcast_in_dim3A_5 {strides = array<i32>} : memref<1x26x1000xi32, #tpu.memory_space<vmem>>, vector<16xi32>,
      %swap3A_103 = arith.constant 0 : i32
      %swap3A_104 = arith.index_cast %swap3A_103 : i32 to index
      %swap3A_105 = arith.index_cast %scan3A_93 : i32 to index
      %swap3A_106 = arith.constant 32 : index
      %swap3A_107 = tpu.vector_load %arg6[%swap3A_104, %swap3A_105, %swap3A_106] {strides = array<i32>} : memref<1x26x1000xi32, #tpu.memory_space<vmem>>, vector<16xi32>,
      tpu.vector_store %arg6[%swap3A_104, %swap3A_105, %swap3A_106], %broadcast_in_dim3A_5 {strides = array<i32>} : memref<1x26x1000xi32, #tpu.memory_space<vmem>>, vector<16xi32>,
      %swap3A_108 = arith.constant 0 : i32
      %swap3A_109 = arith.index_cast %swap3A_108 : i32 to index
      %swap3A_110 = arith.index_cast %scan3A_93 : i32 to index
      %swap3A_111 = arith.constant 48 : index
      %swap3A_112 = tpu.vector_load %arg6[%swap3A_109, %swap3A_110, %swap3A_111] {strides = array<i32>} : memref<1x26x1000xi32, #tpu.memory_space<vmem>>, vector<16xi32>,
      tpu.vector_store %arg6[%swap3A_109, %swap3A_110, %swap3A_111], %broadcast_in_dim3A_5 {strides = array<i32>} : memref<1x26x1000xi32, #tpu.memory_space<vmem>>, vector<16xi32>,
      %swap3A_113 = arith.constant 0 : i32
      %swap3A_114 = arith.index_cast %swap3A_113 : i32 to index
      %swap3A_115 = arith.index_cast %scan3A_93 : i32 to index
      %swap3A_116 = arith.constant 64 : index
      %swap3A_117 = tpu.vector_load %arg6[%swap3A_114, %swap3A_115, %swap3A_116] {strides = array<i32>} : memref<1x26x1000xi32, #tpu.memory_space<vmem>>, vector<16xi32>,
      tpu.vector_store %arg6[%swap3A_114, %swap3A_115, %swap3A_116], %broadcast_in_dim3A_5 {strides = array<i32>} : memref<1x26x1000xi32, #tpu.memory_space<vmem>>, vector<16xi32>,
      %swap3A_118 = arith.constant 0 : i32
      %swap3A_119 = arith.index_cast %swap3A_118 : i32 to index
      %swap3A_120 = arith.index_cast %scan3A_93 : i32 to index
      %swap3A_121 = arith.constant 80 : index
      %swap3A_122 = tpu.vector_load %arg6[%swap3A_119, %swap3A_120, %swap3A_121] {strides = array<i32>} : memref<1x26x1000xi32, #tpu.memory_space<vmem>>, vector<16xi32>,
      tpu.vector_store %arg6[%swap3A_119, %swap3A_120, %swap3A_121], %broadcast_in_dim3A_5 {strides = array<i32>} : memref<1x26x1000xi32, #tpu.memory_space<vmem>>, vector<16xi32>,
      %swap3A_123 = arith.constant 0 : i32
      %swap3A_124 = arith.index_cast %swap3A_123 : i32 to index
      %swap3A_125 = arith.index_cast %scan3A_93 : i32 to index
      %swap3A_126 = arith.constant 96 : index
      %swap3A_127 = tpu.vector_load %arg6[%swap3A_124, %swap3A_125, %swap3A_126] {strides = array<i32>} : memref<1x26x1000xi32, #tpu.memory_space<vmem>>, vector<16xi32>,
      tpu.vector_store %arg6[%swap3A_124, %swap3A_125, %swap3A_126], %broadcast_in_dim3A_5 {strides = array<i32>} : memref<1x26x1000xi32, #tpu.memory_space<vmem>>, vector<16xi32>,
      %swap3A_128 = arith.constant 0 : i32
      %swap3A_129 = arith.index_cast %swap3A_128 : i32 to index
      %swap3A_130 = arith.index_cast %scan3A_93 : i32 to index
      %swap3A_131 = arith.constant 112 : index
      %swap3A_132 = tpu.vector_load %arg6[%swap3A_129, %swap3A_130, %swap3A_131] {strides = array<i32>} : memref<1x26x1000xi32, #tpu.memory_space<vmem>>, vector<16xi32>,
      tpu.vector_store %arg6[%swap3A_129, %swap3A_130, %swap3A_131], %broadcast_in_dim3A_5 {strides = array<i32>} : memref<1x26x1000xi32, #tpu.memory_space<vmem>>, vector<16xi32>,
      %swap3A_133 = arith.constant 0 : i32
      %swap3A_134 = arith.index_cast %swap3A_133 : i32 to index
      %swap3A_135 = arith.index_cast %scan3A_93 : i32 to index
      %swap3A_136 = arith.constant 128 : index
      %swap3A_137 = tpu.vector_load %arg6[%swap3A_134, %swap3A_135, %swap3A_136] {strides = array<i32>} : memref<1x26x1000xi32, #tpu.memory_space<vmem>>, vector<16xi32>,
      tpu.vector_store %arg6[%swap3A_134, %swap3A_135, %swap3A_136], %broadcast_in_dim3A_5 {strides = array<i32>} : memref<1x26x1000xi32, #tpu.memory_space<vmem>>, vector<16xi32>,
      %swap3A_138 = arith.constant 0 : i32
      %swap3A_139 = arith.index_cast %swap3A_138 : i32 to index
      %swap3A_140 = arith.index_cast %scan3A_93 : i32 to index
      %swap3A_141 = arith.constant 144 : index
      %swap3A_142 = tpu.vector_load %arg6[%swap3A_139, %swap3A_140, %swap3A_141] {strides = array<i32>} : memref<1x26x1000xi32, #tpu.memory_space<vmem>>, vector<16xi32>,
      tpu.vector_store %arg6[%swap3A_139, %swap3A_140, %swap3A_141], %broadcast_in_dim3A_5 {strides = array<i32>} : memref<1x26x1000xi32, #tpu.memory_space<vmem>>, vector<16xi32>,
      %swap3A_143 = arith.constant 0 : i32
      %swap3A_144 = arith.index_cast %swap3A_143 : i32 to index
      %swap3A_145 = arith.index_cast %scan3A_93 : i32 to index
      %swap3A_146 = arith.constant 160 : index
      %swap3A_147 = tpu.vector_load %arg6[%swap3A_144, %swap3A_145, %swap3A_146] {strides = array<i32>} : memref<1x26x1000xi32, #tpu.memory_space<vmem>>, vector<16xi32>,
      tpu.vector_store %arg6[%swap3A_144, %swap3A_145, %swap3A_146], %broadcast_in_dim3A_5 {strides = array<i32>} : memref<1x26x1000xi32, #tpu.memory_space<vmem>>, vector<16xi32>,
      %swap3A_148 = arith.constant 0 : i32
      %swap3A_149 = arith.index_cast %swap3A_148 : i32 to index
      %swap3A_150 = arith.index_cast %scan3A_93 : i32 to index
      %swap3A_151 = arith.constant 176 : index
      %swap3A_152 = tpu.vector_load %arg6[%swap3A_149, %swap3A_150, %swap3A_151] {strides = array<i32>} : memref<1x26x1000xi32, #tpu.memory_space<vmem>>, vector<16xi32>,
      tpu.vector_store %arg6[%swap3A_149, %swap3A_150, %swap3A_151], %broadcast_in_dim3A_5 {strides = array<i32>} : memref<1x26x1000xi32, #tpu.memory_space<vmem>>, vector<16xi32>,
      %swap3A_153 = arith.constant 0 : i32
      %swap3A_154 = arith.index_cast %swap3A_153 : i32 to index
      %swap3A_155 = arith.index_cast %scan3A_93 : i32 to index
      %swap3A_156 = arith.constant 192 : index
      %swap3A_157 = tpu.vector_load %arg6[%swap3A_154, %swap3A_155, %swap3A_156] {strides = array<i32>} : memref<1x26x1000xi32, #tpu.memory_space<vmem>>, vector<16xi32>,
      tpu.vector_store %arg6[%swap3A_154, %swap3A_155, %swap3A_156], %broadcast_in_dim3A_5 {strides = array<i32>} : memref<1x26x1000xi32, #tpu.memory_space<vmem>>, vector<16xi32>,
      %swap3A_158 = arith.constant 0 : i32
      %swap3A_159 = arith.index_cast %swap3A_158 : i32 to index
      %swap3A_160 = arith.index_cast %scan3A_93 : i32 to index
      %swap3A_161 = arith.constant 208 : index
      %swap3A_162 = tpu.vector_load %arg6[%swap3A_159, %swap3A_160, %swap3A_161] {strides = array<i32>} : memref<1x26x1000xi32, #tpu.memory_space<vmem>>, vector<16xi32>,
      tpu.vector_store %arg6[%swap3A_159, %swap3A_160, %swap3A_161], %broadcast_in_dim3A_5 {strides = array<i32>} : memref<1x26x1000xi32, #tpu.memory_space<vmem>>, vector<16xi32>,
      %swap3A_163 = arith.constant 0 : i32
      %swap3A_164 = arith.index_cast %swap3A_163 : i32 to index
      %swap3A_165 = arith.index_cast %scan3A_93 : i32 to index
      %swap3A_166 = arith.constant 224 : index
      %swap3A_167 = tpu.vector_load %arg6[%swap3A_164, %swap3A_165, %swap3A_166] {strides = array<i32>} : memref<1x26x1000xi32, #tpu.memory_space<vmem>>, vector<16xi32>,
      tpu.vector_store %arg6[%swap3A_164, %swap3A_165, %swap3A_166], %broadcast_in_dim3A_5 {strides = array<i32>} : memref<1x26x1000xi32, #tpu.memory_space<vmem>>, vector<16xi32>,
      %swap3A_168 = arith.constant 0 : i32
      %swap3A_169 = arith.index_cast %swap3A_168 : i32 to index
      %swap3A_170 = arith.index_cast %scan3A_93 : i32 to index
      %swap3A_171 = arith.constant 240 : index
      %swap3A_172 = tpu.vector_load %arg6[%swap3A_169, %swap3A_170, %swap3A_171] {strides = array<i32>} : memref<1x26x1000xi32, #tpu.memory_space<vmem>>, vector<16xi32>,
      tpu.vector_store %arg6[%swap3A_169, %swap3A_170, %swap3A_171], %broadcast_in_dim3A_5 {strides = array<i32>} : memref<1x26x1000xi32, #tpu.memory_space<vmem>>, vector<16xi32>,
      %swap3A_173 = arith.constant 0 : i32
      %swap3A_174 = arith.index_cast %swap3A_173 : i32 to index
      %swap3A_175 = arith.index_cast %scan3A_93 : i32 to index
      %swap3A_176 = arith.constant 256 : index
      %swap3A_177 = tpu.vector_load %arg6[%swap3A_174, %swap3A_175, %swap3A_176] {strides = array<i32>} : memref<1x26x1000xi32, #tpu.memory_space<vmem>>, vector<16xi32>,
      tpu.vector_store %arg6[%swap3A_174, %swap3A_175, %swap3A_176], %broadcast_in_dim3A_5 {strides = array<i32>} : memref<1x26x1000xi32, #tpu.memory_space<vmem>>, vector<16xi32>,
      %swap3A_178 = arith.constant 0 : i32
      %swap3A_179 = arith.index_cast %swap3A_178 : i32 to index
      %swap3A_180 = arith.index_cast %scan3A_93 : i32 to index
      %swap3A_181 = arith.constant 272 : index
      %swap3A_182 = tpu.vector_load %arg6[%swap3A_179, %swap3A_180, %swap3A_181] {strides = array<i32>} : memref<1x26x1000xi32, #tpu.memory_space<vmem>>, vector<16xi32>,
      tpu.vector_store %arg6[%swap3A_179, %swap3A_180, %swap3A_181], %broadcast_in_dim3A_5 {strides = array<i32>} : memref<1x26x1000xi32, #tpu.memory_space<vmem>>, vector<16xi32>,
      %swap3A_183 = arith.constant 0 : i32
      %swap3A_184 = arith.index_cast %swap3A_183 : i32 to index
      %swap3A_185 = arith.index_cast %scan3A_93 : i32 to index
      %swap3A_186 = arith.constant 288 : index
      %swap3A_187 = tpu.vector_load %arg6[%swap3A_184, %swap3A_185, %swap3A_186] {strides = array<i32>} : memref<1x26x1000xi32, #tpu.memory_space<vmem>>, vector<16xi32>,
      tpu.vector_store %arg6[%swap3A_184, %swap3A_185, %swap3A_186], %broadcast_in_dim3A_5 {strides = array<i32>} : memref<1x26x1000xi32, #tpu.memory_space<vmem>>, vector<16xi32>,
      %swap3A_188 = arith.constant 0 : i32
      %swap3A_189 = arith.index_cast %swap3A_188 : i32 to index
      %swap3A_190 = arith.index_cast %scan3A_93 : i32 to index
      %swap3A_191 = arith.constant 304 : index
      %swap3A_192 = tpu.vector_load %arg6[%swap3A_189, %swap3A_190, %swap3A_191] {strides = array<i32>} : memref<1x26x1000xi32, #tpu.memory_space<vmem>>, vector<16xi32>,
      tpu.vector_store %arg6[%swap3A_189, %swap3A_190, %swap3A_191], %broadcast_in_dim3A_5 {strides = array<i32>} : memref<1x26x1000xi32, #tpu.memory_space<vmem>>, vector<16xi32>,
      %swap3A_193 = arith.constant 0 : i32
      %swap3A_194 = arith.index_cast %swap3A_193 : i32 to index
      %swap3A_195 = arith.index_cast %scan3A_93 : i32 to index
      %swap3A_196 = arith.constant 320 : index
      %swap3A_197 = tpu.vector_load %arg6[%swap3A_194, %swap3A_195, %swap3A_196] {strides = array<i32>} : memref<1x26x1000xi32, #tpu.memory_space<vmem>>, vector<16xi32>,
      tpu.vector_store %arg6[%swap3A_194, %swap3A_195, %swap3A_196], %broadcast_in_dim3A_5 {strides = array<i32>} : memref<1x26x1000xi32, #tpu.memory_space<vmem>>, vector<16xi32>,
      %swap3A_198 = arith.constant 0 : i32
      %swap3A_199 = arith.index_cast %swap3A_198 : i32 to index
      %swap3A_200 = arith.index_cast %scan3A_93 : i32 to index
      %swap3A_201 = arith.constant 336 : index
      %swap3A_202 = tpu.vector_load %arg6[%swap3A_199, %swap3A_200, %swap3A_201] {strides = array<i32>} : memref<1x26x1000xi32, #tpu.memory_space<vmem>>, vector<16xi32>,
      tpu.vector_store %arg6[%swap3A_199, %swap3A_200, %swap3A_201], %broadcast_in_dim3A_5 {strides = array<i32>} : memref<1x26x1000xi32, #tpu.memory_space<vmem>>, vector<16xi32>,
      %swap3A_203 = arith.constant 0 : i32
      %swap3A_204 = arith.index_cast %swap3A_203 : i32 to index
      %swap3A_205 = arith.index_cast %scan3A_93 : i32 to index
      %swap3A_206 = arith.constant 352 : index
      %swap3A_207 = tpu.vector_load %arg6[%swap3A_204, %swap3A_205, %swap3A_206] {strides = array<i32>} : memref<1x26x1000xi32, #tpu.memory_space<vmem>>, vector<16xi32>,
      tpu.vector_store %arg6[%swap3A_204, %swap3A_205, %swap3A_206], %broadcast_in_dim3A_5 {strides = array<i32>} : memref<1x26x1000xi32, #tpu.memory_space<vmem>>, vector<16xi32>,
      %swap3A_208 = arith.constant 0 : i32
      %swap3A_209 = arith.index_cast %swap3A_208 : i32 to index
      %swap3A_210 = arith.index_cast %scan3A_93 : i32 to index
      %swap3A_211 = arith.constant 368 : index
      %swap3A_212 = tpu.vector_load %arg6[%swap3A_209, %swap3A_210, %swap3A_211] {strides = array<i32>} : memref<1x26x1000xi32, #tpu.memory_space<vmem>>, vector<16xi32>,
      tpu.vector_store %arg6[%swap3A_209, %swap3A_210, %swap3A_211], %broadcast_in_dim3A_5 {strides = array<i32>} : memref<1x26x1000xi32, #tpu.memory_space<vmem>>, vector<16xi32>,
      %swap3A_213 = arith.constant 0 : i32
      %swap3A_214 = arith.index_cast %swap3A_213 : i32 to index
      %swap3A_215 = arith.index_cast %scan3A_93 : i32 to index
      %swap3A_216 = arith.constant 384 : index
      %swap3A_217 = tpu.vector_load %arg6[%swap3A_214, %swap3A_215, %swap3A_216] {strides = array<i32>} : memref<1x26x1000xi32, #tpu.memory_space<vmem>>, vector<16xi32>,
      tpu.vector_store %arg6[%swap3A_214, %swap3A_215, %swap3A_216], %broadcast_in_dim3A_5 {strides = array<i32>} : memref<1x26x1000xi32, #tpu.memory_space<vmem>>, vector<16xi32>,
      %swap3A_218 = arith.constant 0 : i32
      %swap3A_219 = arith.index_cast %swap3A_218 : i32 to index
      %swap3A_220 = arith.index_cast %scan3A_93 : i32 to index
      %swap3A_221 = arith.constant 400 : index
      %swap3A_222 = tpu.vector_load %arg6[%swap3A_219, %swap3A_220, %swap3A_221] {strides = array<i32>} : memref<1x26x1000xi32, #tpu.memory_space<vmem>>, vector<16xi32>,
      tpu.vector_store %arg6[%swap3A_219, %swap3A_220, %swap3A_221], %broadcast_in_dim3A_5 {strides = array<i32>} : memref<1x26x1000xi32, #tpu.memory_space<vmem>>, vector<16xi32>,
      %swap3A_223 = arith.constant 0 : i32
      %swap3A_224 = arith.index_cast %swap3A_223 : i32 to index
      %swap3A_225 = arith.index_cast %scan3A_93 : i32 to index
      %swap3A_226 = arith.constant 416 : index
      %swap3A_227 = tpu.vector_load %arg6[%swap3A_224, %swap3A_225, %swap3A_226] {strides = array<i32>} : memref<1x26x1000xi32, #tpu.memory_space<vmem>>, vector<16xi32>,
      tpu.vector_store %arg6[%swap3A_224, %swap3A_225, %swap3A_226], %broadcast_in_dim3A_5 {strides = array<i32>} : memref<1x26x1000xi32, #tpu.memory_space<vmem>>, vector<16xi32>,
      %swap3A_228 = arith.constant 0 : i32
      %swap3A_229 = arith.index_cast %swap3A_228 : i32 to index
      %swap3A_230 = arith.index_cast %scan3A_93 : i32 to index
      %swap3A_231 = arith.constant 432 : index
      %swap3A_232 = tpu.vector_load %arg6[%swap3A_229, %swap3A_230, %swap3A_231] {strides = array<i32>} : memref<1x26x1000xi32, #tpu.memory_space<vmem>>, vector<16xi32>,
      tpu.vector_store %arg6[%swap3A_229, %swap3A_230, %swap3A_231], %broadcast_in_dim3A_5 {strides = array<i32>} : memref<1x26x1000xi32, #tpu.memory_space<vmem>>, vector<16xi32>,
      %swap3A_233 = arith.constant 0 : i32
      %swap3A_234 = arith.index_cast %swap3A_233 : i32 to index
      %swap3A_235 = arith.index_cast %scan3A_93 : i32 to index
      %swap3A_236 = arith.constant 448 : index
      %swap3A_237 = tpu.vector_load %arg6[%swap3A_234, %swap3A_235, %swap3A_236] {strides = array<i32>} : memref<1x26x1000xi32, #tpu.memory_space<vmem>>, vector<16xi32>,
      tpu.vector_store %arg6[%swap3A_234, %swap3A_235, %swap3A_236], %broadcast_in_dim3A_5 {strides = array<i32>} : memref<1x26x1000xi32, #tpu.memory_space<vmem>>, vector<16xi32>,
      %swap3A_238 = arith.constant 0 : i32
      %swap3A_239 = arith.index_cast %swap3A_238 : i32 to index
      %swap3A_240 = arith.index_cast %scan3A_93 : i32 to index
      %swap3A_241 = arith.constant 464 : index
      %swap3A_242 = tpu.vector_load %arg6[%swap3A_239, %swap3A_240, %swap3A_241] {strides = array<i32>} : memref<1x26x1000xi32, #tpu.memory_space<vmem>>, vector<16xi32>,
      tpu.vector_store %arg6[%swap3A_239, %swap3A_240, %swap3A_241], %broadcast_in_dim3A_5 {strides = array<i32>} : memref<1x26x1000xi32, #tpu.memory_space<vmem>>, vector<16xi32>,
      %swap3A_243 = arith.constant 0 : i32
      %swap3A_244 = arith.index_cast %swap3A_243 : i32 to index
      %swap3A_245 = arith.index_cast %scan3A_93 : i32 to index
      %swap3A_246 = arith.constant 480 : index
      %swap3A_247 = tpu.vector_load %arg6[%swap3A_244, %swap3A_245, %swap3A_246] {strides = array<i32>} : memref<1x26x1000xi32, #tpu.memory_space<vmem>>, vector<16xi32>,
      tpu.vector_store %arg6[%swap3A_244, %swap3A_245, %swap3A_246], %broadcast_in_dim3A_5 {strides = array<i32>} : memref<1x26x1000xi32, #tpu.memory_space<vmem>>, vector<16xi32>,
      %swap3A_248 = arith.constant 0 : i32
      %swap3A_249 = arith.index_cast %swap3A_248 : i32 to index
      %swap3A_250 = arith.index_cast %scan3A_93 : i32 to index
      %swap3A_251 = arith.constant 496 : index
      %swap3A_252 = tpu.vector_load %arg6[%swap3A_249, %swap3A_250, %swap3A_251] {strides = array<i32>} : memref<1x26x1000xi32, #tpu.memory_space<vmem>>, vector<16xi32>,
      tpu.vector_store %arg6[%swap3A_249, %swap3A_250, %swap3A_251], %broadcast_in_dim3A_5 {strides = array<i32>} : memref<1x26x1000xi32, #tpu.memory_space<vmem>>, vector<16xi32>,
      %swap3A_253 = arith.constant 0 : i32
      %swap3A_254 = arith.index_cast %swap3A_253 : i32 to index
      %swap3A_255 = arith.index_cast %scan3A_93 : i32 to index
      %swap3A_256 = arith.constant 512 : index
      %swap3A_257 = tpu.vector_load %arg6[%swap3A_254, %swap3A_255, %swap3A_256] {strides = array<i32>} : memref<1x26x1000xi32, #tpu.memory_space<vmem>>, vector<16xi32>,
      tpu.vector_store %arg6[%swap3A_254, %swap3A_255, %swap3A_256], %broadcast_in_dim3A_5 {strides = array<i32>} : memref<1x26x1000xi32, #tpu.memory_space<vmem>>, vector<16xi32>,
      %swap3A_258 = arith.constant 0 : i32
      %swap3A_259 = arith.index_cast %swap3A_258 : i32 to index
      %swap3A_260 = arith.index_cast %scan3A_93 : i32 to index
      %swap3A_261 = arith.constant 528 : index
      %swap3A_262 = tpu.vector_load %arg6[%swap3A_259, %swap3A_260, %swap3A_261] {strides = array<i32>} : memref<1x26x1000xi32, #tpu.memory_space<vmem>>, vector<16xi32>,
      tpu.vector_store %arg6[%swap3A_259, %swap3A_260, %swap3A_261], %broadcast_in_dim3A_5 {strides = array<i32>} : memref<1x26x1000xi32, #tpu.memory_space<vmem>>, vector<16xi32>,
      %swap3A_263 = arith.constant 0 : i32
      %swap3A_264 = arith.index_cast %swap3A_263 : i32 to index
      %swap3A_265 = arith.index_cast %scan3A_93 : i32 to index
      %swap3A_266 = arith.constant 544 : index
      %swap3A_267 = tpu.vector_load %arg6[%swap3A_264, %swap3A_265, %swap3A_266] {strides = array<i32>} : memref<1x26x1000xi32, #tpu.memory_space<vmem>>, vector<16xi32>,
      tpu.vector_store %arg6[%swap3A_264, %swap3A_265, %swap3A_266], %broadcast_in_dim3A_5 {strides = array<i32>} : memref<1x26x1000xi32, #tpu.memory_space<vmem>>, vector<16xi32>,
      %swap3A_268 = arith.constant 0 : i32
      %swap3A_269 = arith.index_cast %swap3A_268 : i32 to index
      %swap3A_270 = arith.index_cast %scan3A_93 : i32 to index
      %swap3A_271 = arith.constant 560 : index
      %swap3A_272 = tpu.vector_load %arg6[%swap3A_269, %swap3A_270, %swap3A_271] {strides = array<i32>} : memref<1x26x1000xi32, #tpu.memory_space<vmem>>, vector<16xi32>,
      tpu.vector_store %arg6[%swap3A_269, %swap3A_270, %swap3A_271], %broadcast_in_dim3A_5 {strides = array<i32>} : memref<1x26x1000xi32, #tpu.memory_space<vmem>>, vector<16xi32>,
      %swap3A_273 = arith.constant 0 : i32
      %swap3A_274 = arith.index_cast %swap3A_273 : i32 to index
      %swap3A_275 = arith.index_cast %scan3A_93 : i32 to index
      %swap3A_276 = arith.constant 576 : index
      %swap3A_277 = tpu.vector_load %arg6[%swap3A_274, %swap3A_275, %swap3A_276] {strides = array<i32>} : memref<1x26x1000xi32, #tpu.memory_space<vmem>>, vector<16xi32>,
      tpu.vector_store %arg6[%swap3A_274, %swap3A_275, %swap3A_276], %broadcast_in_dim3A_5 {strides = array<i32>} : memref<1x26x1000xi32, #tpu.memory_space<vmem>>, vector<16xi32>,
      %swap3A_278 = arith.constant 0 : i32
      %swap3A_279 = arith.index_cast %swap3A_278 : i32 to index
      %swap3A_280 = arith.index_cast %scan3A_93 : i32 to index
      %swap3A_281 = arith.constant 592 : index
      %swap3A_282 = tpu.vector_load %arg6[%swap3A_279, %swap3A_280, %swap3A_281] {strides = array<i32>} : memref<1x26x1000xi32, #tpu.memory_space<vmem>>, vector<16xi32>,
      tpu.vector_store %arg6[%swap3A_279, %swap3A_280, %swap3A_281], %broadcast_in_dim3A_5 {strides = array<i32>} : memref<1x26x1000xi32, #tpu.memory_space<vmem>>, vector<16xi32>,
      %swap3A_283 = arith.constant 0 : i32
      %swap3A_284 = arith.index_cast %swap3A_283 : i32 to index
      %swap3A_285 = arith.index_cast %scan3A_93 : i32 to index
      %swap3A_286 = arith.constant 608 : index
      %swap3A_287 = tpu.vector_load %arg6[%swap3A_284, %swap3A_285, %swap3A_286] {strides = array<i32>} : memref<1x26x1000xi32, #tpu.memory_space<vmem>>, vector<16xi32>,
      tpu.vector_store %arg6[%swap3A_284, %swap3A_285, %swap3A_286], %broadcast_in_dim3A_5 {strides = array<i32>} : memref<1x26x1000xi32, #tpu.memory_space<vmem>>, vector<16xi32>,
      %swap3A_288 = arith.constant 0 : i32
      %swap3A_289 = arith.index_cast %swap3A_288 : i32 to index
      %swap3A_290 = arith.index_cast %scan3A_93 : i32 to index
      %swap3A_291 = arith.constant 624 : index
      %swap3A_292 = tpu.vector_load %arg6[%swap3A_289, %swap3A_290, %swap3A_291] {strides = array<i32>} : memref<1x26x1000xi32, #tpu.memory_space<vmem>>, vector<16xi32>,
      tpu.vector_store %arg6[%swap3A_289, %swap3A_290, %swap3A_291], %broadcast_in_dim3A_5 {strides = array<i32>} : memref<1x26x1000xi32, #tpu.memory_space<vmem>>, vector<16xi32>,
      %swap3A_293 = arith.constant 0 : i32
      %swap3A_294 = arith.index_cast %swap3A_293 : i32 to index
      %swap3A_295 = arith.index_cast %scan3A_93 : i32 to index
      %swap3A_296 = arith.constant 640 : index
      %swap3A_297 = tpu.vector_load %arg6[%swap3A_294, %swap3A_295, %swap3A_296] {strides = array<i32>} : memref<1x26x1000xi32, #tpu.memory_space<vmem>>, vector<16xi32>,
      tpu.vector_store %arg6[%swap3A_294, %swap3A_295, %swap3A_296], %broadcast_in_dim3A_5 {strides = array<i32>} : memref<1x26x1000xi32, #tpu.memory_space<vmem>>, vector<16xi32>,
      %swap3A_298 = arith.constant 0 : i32
      %swap3A_299 = arith.index_cast %swap3A_298 : i32 to index
      %swap3A_300 = arith.index_cast %scan3A_93 : i32 to index
      %swap3A_301 = arith.constant 656 : index
      %swap3A_302 = tpu.vector_load %arg6[%swap3A_299, %swap3A_300, %swap3A_301] {strides = array<i32>} : memref<1x26x1000xi32, #tpu.memory_space<vmem>>, vector<16xi32>,
      tpu.vector_store %arg6[%swap3A_299, %swap3A_300, %swap3A_301], %broadcast_in_dim3A_5 {strides = array<i32>} : memref<1x26x1000xi32, #tpu.memory_space<vmem>>, vector<16xi32>,
      %swap3A_303 = arith.constant 0 : i32
      %swap3A_304 = arith.index_cast %swap3A_303 : i32 to index
      %swap3A_305 = arith.index_cast %scan3A_93 : i32 to index
      %swap3A_306 = arith.constant 672 : index
      %swap3A_307 = tpu.vector_load %arg6[%swap3A_304, %swap3A_305, %swap3A_306] {strides = array<i32>} : memref<1x26x1000xi32, #tpu.memory_space<vmem>>, vector<16xi32>,
      tpu.vector_store %arg6[%swap3A_304, %swap3A_305, %swap3A_306], %broadcast_in_dim3A_5 {strides = array<i32>} : memref<1x26x1000xi32, #tpu.memory_space<vmem>>, vector<16xi32>,
      %swap3A_308 = arith.constant 0 : i32
      %swap3A_309 = arith.index_cast %swap3A_308 : i32 to index
      %swap3A_310 = arith.index_cast %scan3A_93 : i32 to index
      %swap3A_311 = arith.constant 688 : index
      %swap3A_312 = tpu.vector_load %arg6[%swap3A_309, %swap3A_310, %swap3A_311] {strides = array<i32>} : memref<1x26x1000xi32, #tpu.memory_space<vmem>>, vector<16xi32>,
      tpu.vector_store %arg6[%swap3A_309, %swap3A_310, %swap3A_311], %broadcast_in_dim3A_5 {strides = array<i32>} : memref<1x26x1000xi32, #tpu.memory_space<vmem>>, vector<16xi32>,
      %swap3A_313 = arith.constant 0 : i32
      %swap3A_314 = arith.index_cast %swap3A_313 : i32 to index
      %swap3A_315 = arith.index_cast %scan3A_93 : i32 to index
      %swap3A_316 = arith.constant 704 : index
      %swap3A_317 = tpu.vector_load %arg6[%swap3A_314, %swap3A_315, %swap3A_316] {strides = array<i32>} : memref<1x26x1000xi32, #tpu.memory_space<vmem>>, vector<16xi32>,
      tpu.vector_store %arg6[%swap3A_314, %swap3A_315, %swap3A_316], %broadcast_in_dim3A_5 {strides = array<i32>} : memref<1x26x1000xi32, #tpu.memory_space<vmem>>, vector<16xi32>,
      %swap3A_318 = arith.constant 0 : i32
      %swap3A_319 = arith.index_cast %swap3A_318 : i32 to index
      %swap3A_320 = arith.index_cast %scan3A_93 : i32 to index
      %swap3A_321 = arith.constant 720 : index
      %swap3A_322 = tpu.vector_load %arg6[%swap3A_319, %swap3A_320, %swap3A_321] {strides = array<i32>} : memref<1x26x1000xi32, #tpu.memory_space<vmem>>, vector<16xi32>,
      tpu.vector_store %arg6[%swap3A_319, %swap3A_320, %swap3A_321], %broadcast_in_dim3A_5 {strides = array<i32>} : memref<1x26x1000xi32, #tpu.memory_space<vmem>>, vector<16xi32>,
      %swap3A_323 = arith.constant 0 : i32
      %swap3A_324 = arith.index_cast %swap3A_323 : i32 to index
      %swap3A_325 = arith.index_cast %scan3A_93 : i32 to index
      %swap3A_326 = arith.constant 736 : index
      %swap3A_327 = tpu.vector_load %arg6[%swap3A_324, %swap3A_325, %swap3A_326] {strides = array<i32>} : memref<1x26x1000xi32, #tpu.memory_space<vmem>>, vector<16xi32>,
      tpu.vector_store %arg6[%swap3A_324, %swap3A_325, %swap3A_326], %broadcast_in_dim3A_5 {strides = array<i32>} : memref<1x26x1000xi32, #tpu.memory_space<vmem>>, vector<16xi32>,
      %swap3A_328 = arith.constant 0 : i32
      %swap3A_329 = arith.index_cast %swap3A_328 : i32 to index
      %swap3A_330 = arith.index_cast %scan3A_93 : i32 to index
      %swap3A_331 = arith.constant 752 : index
      %swap3A_332 = tpu.vector_load %arg6[%swap3A_329, %swap3A_330, %swap3A_331] {strides = array<i32>} : memref<1x26x1000xi32, #tpu.memory_space<vmem>>, vector<16xi32>,
      tpu.vector_store %arg6[%swap3A_329, %swap3A_330, %swap3A_331], %broadcast_in_dim3A_5 {strides = array<i32>} : memref<1x26x1000xi32, #tpu.memory_space<vmem>>, vector<16xi32>,
      %swap3A_333 = arith.constant 0 : i32
      %swap3A_334 = arith.index_cast %swap3A_333 : i32 to index
      %swap3A_335 = arith.index_cast %scan3A_93 : i32 to index
      %swap3A_336 = arith.constant 768 : index
      %swap3A_337 = tpu.vector_load %arg6[%swap3A_334, %swap3A_335, %swap3A_336] {strides = array<i32>} : memref<1x26x1000xi32, #tpu.memory_space<vmem>>, vector<16xi32>,
      tpu.vector_store %arg6[%swap3A_334, %swap3A_335, %swap3A_336], %broadcast_in_dim3A_5 {strides = array<i32>} : memref<1x26x1000xi32, #tpu.memory_space<vmem>>, vector<16xi32>,
      %swap3A_338 = arith.constant 0 : i32
      %swap3A_339 = arith.index_cast %swap3A_338 : i32 to index
      %swap3A_340 = arith.index_cast %scan3A_93 : i32 to index
      %swap3A_341 = arith.constant 784 : index
      %swap3A_342 = tpu.vector_load %arg6[%swap3A_339, %swap3A_340, %swap3A_341] {strides = array<i32>} : memref<1x26x1000xi32, #tpu.memory_space<vmem>>, vector<16xi32>,
      tpu.vector_store %arg6[%swap3A_339, %swap3A_340, %swap3A_341], %broadcast_in_dim3A_5 {strides = array<i32>} : memref<1x26x1000xi32, #tpu.memory_space<vmem>>, vector<16xi32>,
      %swap3A_343 = arith.constant 0 : i32
      %swap3A_344 = arith.index_cast %swap3A_343 : i32 to index
      %swap3A_345 = arith.index_cast %scan3A_93 : i32 to index
      %swap3A_346 = arith.constant 800 : index
      %swap3A_347 = tpu.vector_load %arg6[%swap3A_344, %swap3A_345, %swap3A_346] {strides = array<i32>} : memref<1x26x1000xi32, #tpu.memory_space<vmem>>, vector<16xi32>,
      tpu.vector_store %arg6[%swap3A_344, %swap3A_345, %swap3A_346], %broadcast_in_dim3A_5 {strides = array<i32>} : memref<1x26x1000xi32, #tpu.memory_space<vmem>>, vector<16xi32>,
      %swap3A_348 = arith.constant 0 : i32
      %swap3A_349 = arith.index_cast %swap3A_348 : i32 to index
      %swap3A_350 = arith.index_cast %scan3A_93 : i32 to index
      %swap3A_351 = arith.constant 816 : index
      %swap3A_352 = tpu.vector_load %arg6[%swap3A_349, %swap3A_350, %swap3A_351] {strides = array<i32>} : memref<1x26x1000xi32, #tpu.memory_space<vmem>>, vector<16xi32>,
      tpu.vector_store %arg6[%swap3A_349, %swap3A_350, %swap3A_351], %broadcast_in_dim3A_5 {strides = array<i32>} : memref<1x26x1000xi32, #tpu.memory_space<vmem>>, vector<16xi32>,
      %swap3A_353 = arith.constant 0 : i32
      %swap3A_354 = arith.index_cast %swap3A_353 : i32 to index
      %swap3A_355 = arith.index_cast %scan3A_93 : i32 to index
      %swap3A_356 = arith.constant 832 : index
      %swap3A_357 = tpu.vector_load %arg6[%swap3A_354, %swap3A_355, %swap3A_356] {strides = array<i32>} : memref<1x26x1000xi32, #tpu.memory_space<vmem>>, vector<16xi32>,
      tpu.vector_store %arg6[%swap3A_354, %swap3A_355, %swap3A_356], %broadcast_in_dim3A_5 {strides = array<i32>} : memref<1x26x1000xi32, #tpu.memory_space<vmem>>, vector<16xi32>,
      %swap3A_358 = arith.constant 0 : i32
      %swap3A_359 = arith.index_cast %swap3A_358 : i32 to index
      %swap3A_360 = arith.index_cast %scan3A_93 : i32 to index
      %swap3A_361 = arith.constant 848 : index
      %swap3A_362 = tpu.vector_load %arg6[%swap3A_359, %swap3A_360, %swap3A_361] {strides = array<i32>} : memref<1x26x1000xi32, #tpu.memory_space<vmem>>, vector<16xi32>,
      tpu.vector_store %arg6[%swap3A_359, %swap3A_360, %swap3A_361], %broadcast_in_dim3A_5 {strides = array<i32>} : memref<1x26x1000xi32, #tpu.memory_space<vmem>>, vector<16xi32>,
      %swap3A_363 = arith.constant 0 : i32
      %swap3A_364 = arith.index_cast %swap3A_363 : i32 to index
      %swap3A_365 = arith.index_cast %scan3A_93 : i32 to index
      %swap3A_366 = arith.constant 864 : index
      %swap3A_367 = tpu.vector_load %arg6[%swap3A_364, %swap3A_365, %swap3A_366] {strides = array<i32>} : memref<1x26x1000xi32, #tpu.memory_space<vmem>>, vector<16xi32>,
      tpu.vector_store %arg6[%swap3A_364, %swap3A_365, %swap3A_366], %broadcast_in_dim3A_5 {strides = array<i32>} : memref<1x26x1000xi32, #tpu.memory_space<vmem>>, vector<16xi32>,
      %swap3A_368 = arith.constant 0 : i32
      %swap3A_369 = arith.index_cast %swap3A_368 : i32 to index
      %swap3A_370 = arith.index_cast %scan3A_93 : i32 to index
      %swap3A_371 = arith.constant 880 : index
      %swap3A_372 = tpu.vector_load %arg6[%swap3A_369, %swap3A_370, %swap3A_371] {strides = array<i32>} : memref<1x26x1000xi32, #tpu.memory_space<vmem>>, vector<16xi32>,
      tpu.vector_store %arg6[%swap3A_369, %swap3A_370, %swap3A_371], %broadcast_in_dim3A_5 {strides = array<i32>} : memref<1x26x1000xi32, #tpu.memory_space<vmem>>, vector<16xi32>,
      %swap3A_373 = arith.constant 0 : i32
      %swap3A_374 = arith.index_cast %swap3A_373 : i32 to index
      %swap3A_375 = arith.index_cast %scan3A_93 : i32 to index
      %swap3A_376 = arith.constant 896 : index
      %swap3A_377 = tpu.vector_load %arg6[%swap3A_374, %swap3A_375, %swap3A_376] {strides = array<i32>} : memref<1x26x1000xi32, #tpu.memory_space<vmem>>, vector<16xi32>,
      tpu.vector_store %arg6[%swap3A_374, %swap3A_375, %swap3A_376], %broadcast_in_dim3A_5 {strides = array<i32>} : memref<1x26x1000xi32, #tpu.memory_space<vmem>>, vector<16xi32>,
      %swap3A_378 = arith.constant 0 : i32
      %swap3A_379 = arith.index_cast %swap3A_378 : i32 to index
      %swap3A_380 = arith.index_cast %scan3A_93 : i32 to index
      %swap3A_381 = arith.constant 912 : index
      %swap3A_382 = tpu.vector_load %arg6[%swap3A_379, %swap3A_380, %swap3A_381] {strides = array<i32>} : memref<1x26x1000xi32, #tpu.memory_space<vmem>>, vector<16xi32>,
      tpu.vector_store %arg6[%swap3A_379, %swap3A_380, %swap3A_381], %broadcast_in_dim3A_5 {strides = array<i32>} : memref<1x26x1000xi32, #tpu.memory_space<vmem>>, vector<16xi32>,
      %swap3A_383 = arith.constant 0 : i32
      %swap3A_384 = arith.index_cast %swap3A_383 : i32 to index
      %swap3A_385 = arith.index_cast %scan3A_93 : i32 to index
      %swap3A_386 = arith.constant 928 : index
      %swap3A_387 = tpu.vector_load %arg6[%swap3A_384, %swap3A_385, %swap3A_386] {strides = array<i32>} : memref<1x26x1000xi32, #tpu.memory_space<vmem>>, vector<16xi32>,
      tpu.vector_store %arg6[%swap3A_384, %swap3A_385, %swap3A_386], %broadcast_in_dim3A_5 {strides = array<i32>} : memref<1x26x1000xi32, #tpu.memory_space<vmem>>, vector<16xi32>,
      %swap3A_388 = arith.constant 0 : i32
      %swap3A_389 = arith.index_cast %swap3A_388 : i32 to index
      %swap3A_390 = arith.index_cast %scan3A_93 : i32 to index
      %swap3A_391 = arith.constant 944 : index
      %swap3A_392 = tpu.vector_load %arg6[%swap3A_389, %swap3A_390, %swap3A_391] {strides = array<i32>} : memref<1x26x1000xi32, #tpu.memory_space<vmem>>, vector<16xi32>,
      tpu.vector_store %arg6[%swap3A_389, %swap3A_390, %swap3A_391], %broadcast_in_dim3A_5 {strides = array<i32>} : memref<1x26x1000xi32, #tpu.memory_space<vmem>>, vector<16xi32>,
      %swap3A_393 = arith.constant 0 : i32
      %swap3A_394 = arith.index_cast %swap3A_393 : i32 to index
      %swap3A_395 = arith.index_cast %scan3A_93 : i32 to index
      %swap3A_396 = arith.constant 960 : index
      %swap3A_397 = tpu.vector_load %arg6[%swap3A_394, %swap3A_395, %swap3A_396] {strides = array<i32>} : memref<1x26x1000xi32, #tpu.memory_space<vmem>>, vector<16xi32>,
      tpu.vector_store %arg6[%swap3A_394, %swap3A_395, %swap3A_396], %broadcast_in_dim3A_5 {strides = array<i32>} : memref<1x26x1000xi32, #tpu.memory_space<vmem>>, vector<16xi32>,
      %swap3A_398 = arith.constant 0 : i32
      %swap3A_399 = arith.index_cast %swap3A_398 : i32 to index
      %swap3A_400 = arith.index_cast %scan3A_93 : i32 to index
      %swap3A_401 = arith.constant 976 : index
      %swap3A_402 = tpu.vector_load %arg6[%swap3A_399, %swap3A_400, %swap3A_401] {strides = array<i32>} : memref<1x26x1000xi32, #tpu.memory_space<vmem>>, vector<16xi32>,
      tpu.vector_store %arg6[%swap3A_399, %swap3A_400, %swap3A_401], %broadcast_in_dim3A_5 {strides = array<i32>} : memref<1x26x1000xi32, #tpu.memory_space<vmem>>, vector<16xi32>,
      %swap3A_403 = arith.constant 0 : i32
      %swap3A_404 = arith.index_cast %swap3A_403 : i32 to index
      %swap3A_405 = arith.index_cast %scan3A_93 : i32 to index
      %swap3A_406 = arith.constant 984 : index
      %swap3A_407 = tpu.vector_load %arg6[%swap3A_404, %swap3A_405, %swap3A_406] {strides = array<i32>} : memref<1x26x1000xi32, #tpu.memory_space<vmem>>, vector<16xi32>,
      tpu.vector_store %arg6[%swap3A_404, %swap3A_405, %swap3A_406], %broadcast_in_dim3A_5 {strides = array<i32>} : memref<1x26x1000xi32, #tpu.memory_space<vmem>>, vector<16xi32>,
    }
    %scan3A_18 = arith.constant 26 : i32
    %add3A_19 = arith.constant 0 : i32
    %add3A_20 = vector.broadcast %add3A_19 : i32 to vector<16xi32>
    %add3A_21 = arith.addi %iota3A, %add3A_20 : vector<16xi32>
    %lt3A = arith.constant 26 : i32
    %lt3A_22 = vector.broadcast %lt3A : i32 to vector<16xi32>
    %lt3A_23 = arith.cmpi slt, %add3A_21, %lt3A_22 : vector<16xi32>
    %get3A = arith.constant 0 : index
    %get3A_24 = tpu.vector_load %arg4[%get3A] {strides = array<i32>} : memref<848xi32, #tpu.memory_space<vmem>>, vector<16xi32>,
    %broadcast_in_dim3A_25 = arith.constant 0 : i32
    %broadcast_in_dim3A_26 = vector.broadcast %broadcast_in_dim3A_25 : i32 to vector<16xi32>
    tpu.vector_store_idx %arg5[%broadcast_in_dim3A_26, %add3A_21, %get3A_24], %broadcast_in_dim3A_7 masked %lt3A_23 : memref<1x26x1000xi32, #tpu.memory_space<vmem>>[vector<16xi32>, vector<16xi32>, vector<16xi32>], vector<16xi32>, vector<16xi1>
    %add3A_27 = arith.constant 16 : i32
    %add3A_28 = vector.broadcast %add3A_27 : i32 to vector<16xi32>
    %add3A_29 = arith.addi %iota3A, %add3A_28 : vector<16xi32>
    %lt3A_30 = arith.constant 26 : i32
    %lt3A_31 = vector.broadcast %lt3A_30 : i32 to vector<16xi32>
    %lt3A_32 = arith.cmpi slt, %add3A_29, %lt3A_31 : vector<16xi32>
    %get3A_33 = arith.constant 16 : index
    %get3A_34 = tpu.vector_load %arg4[%get3A_33] {strides = array<i32>} : memref<848xi32, #tpu.memory_space<vmem>>, vector<16xi32>,
    %broadcast_in_dim3A_35 = arith.constant 0 : i32
    %broadcast_in_dim3A_36 = vector.broadcast %broadcast_in_dim3A_35 : i32 to vector<16xi32>
    tpu.vector_store_idx %arg5[%broadcast_in_dim3A_36, %add3A_29, %get3A_34], %broadcast_in_dim3A_7 masked %lt3A_32 : memref<1x26x1000xi32, #tpu.memory_space<vmem>>[vector<16xi32>, vector<16xi32>, vector<16xi32>], vector<16xi32>, vector<16xi1>
    %add3A_37 = arith.constant 0 : i32
    %add3A_38 = arith.addi %mul3A_2, %add3A_37 : i32
    %dma_start3A = arith.constant 0 : i32
    %dma_start3A_39 = arith.constant 0 : i32
    %dma_start3A_40 = tpu.memref_slice %arg3[%add3A_38, %dma_start3A, %dma_start3A_39] : memref<1024x26x1000xi32, #tpu.memory_space<hbm>> -> memref<1x26x1000xi32, #tpu.memory_space<hbm>>
    %dma_start3A_41 = arith.constant 0 : i32
    %dma_start3A_42 = arith.constant 0 : i32
    %dma_start3A_43 = tpu.memref_slice %arg3[%add3A_38, %dma_start3A_41, %dma_start3A_42] : memref<1024x26x1000xi32, #tpu.memory_space<hbm>> -> memref<1x26x1000xi32, #tpu.memory_space<hbm>>
    tpu.enqueue_dma source(%arg5 : memref<1x26x1000xi32, #tpu.memory_space<vmem>>) target(%dma_start3A_43 : memref<1x26x1000xi32, #tpu.memory_space<hbm>>) target_semaphore(%arg7 : memref<!tpu.dma_semaphore, #tpu.memory_space<semaphore_mem>>)
    %add3A_44 = arith.constant 0 : i32
    %add3A_45 = vector.broadcast %add3A_44 : i32 to vector<16xi32>
    %add3A_46 = arith.addi %iota3A, %add3A_45 : vector<16xi32>
    %lt3A_47 = arith.constant 26 : i32
    %lt3A_48 = vector.broadcast %lt3A_47 : i32 to vector<16xi32>
    %lt3A_49 = arith.cmpi slt, %add3A_46, %lt3A_48 : vector<16xi32>
    %get3A_50 = arith.constant 26 : index
    %get3A_51 = tpu.vector_load %arg4[%get3A_50] {strides = array<i32>} : memref<848xi32, #tpu.memory_space<vmem>>, vector<16xi32>,
    %broadcast_in_dim3A_52 = arith.constant 0 : i32
    %broadcast_in_dim3A_53 = vector.broadcast %broadcast_in_dim3A_52 : i32 to vector<16xi32>
    tpu.vector_store_idx %arg6[%broadcast_in_dim3A_53, %add3A_46, %get3A_51], %broadcast_in_dim3A_7 masked %lt3A_49 : memref<1x26x1000xi32, #tpu.memory_space<vmem>>[vector<16xi32>, vector<16xi32>, vector<16xi32>], vector<16xi32>, vector<16xi1>
    %add3A_54 = arith.constant 16 : i32
    %add3A_55 = vector.broadcast %add3A_54 : i32 to vector<16xi32>
    %add3A_56 = arith.addi %iota3A, %add3A_55 : vector<16xi32>
    %lt3A_57 = arith.constant 26 : i32
    %lt3A_58 = vector.broadcast %lt3A_57 : i32 to vector<16xi32>
    %lt3A_59 = arith.cmpi slt, %add3A_56, %lt3A_58 : vector<16xi32>
    %get3A_60 = arith.constant 42 : index
    %get3A_61 = tpu.vector_load %arg4[%get3A_60] {strides = array<i32>} : memref<848xi32, #tpu.memory_space<vmem>>, vector<16xi32>,
    %broadcast_in_dim3A_62 = arith.constant 0 : i32
    %broadcast_in_dim3A_63 = vector.broadcast %broadcast_in_dim3A_62 : i32 to vector<16xi32>
    tpu.vector_store_idx %arg6[%broadcast_in_dim3A_63, %add3A_56, %get3A_61], %broadcast_in_dim3A_7 masked %lt3A_59 : memref<1x26x1000xi32, #tpu.memory_space<vmem>>[vector<16xi32>, vector<16xi32>, vector<16xi32>], vector<16xi32>, vector<16xi1>
    %add3A_64 = arith.constant 1 : i32
    %add3A_65 = arith.addi %mul3A_2, %add3A_64 : i32
    %dma_start3A_66 = arith.constant 0 : i32
    %dma_start3A_67 = arith.constant 0 : i32
    %dma_start3A_68 = tpu.memref_slice %arg3[%add3A_65, %dma_start3A_66, %dma_start3A_67] : memref<1024x26x1000xi32, #tpu.memory_space<hbm>> -> memref<1x26x1000xi32, #tpu.memory_space<hbm>>
    %dma_start3A_69 = arith.constant 0 : i32
    %dma_start3A_70 = arith.constant 0 : i32
    %dma_start3A_71 = tpu.memref_slice %arg3[%add3A_65, %dma_start3A_69, %dma_start3A_70] : memref<1024x26x1000xi32, #tpu.memory_space<hbm>> -> memref<1x26x1000xi32, #tpu.memory_space<hbm>>
    tpu.enqueue_dma source(%arg6 : memref<1x26x1000xi32, #tpu.memory_space<vmem>>) target(%dma_start3A_71 : memref<1x26x1000xi32, #tpu.memory_space<hbm>>) target_semaphore(%arg8 : memref<!tpu.dma_semaphore, #tpu.memory_space<semaphore_mem>>)
    %scan3A_72 = arith.constant 0 : i32
    %scan3A_73 = arith.constant 1 : i32
    %scan3A_74 = arith.constant 15 : i32
    %scan3A_75 = arith.addi %scan3A_73, %scan3A_74 : i32
    %scan3A_76 = arith.constant 1 : i32
    scf.for %scan3A_93 = %scan3A_73 to %scan3A_75 step %scan3A_76  : i32 {
      %mul3A_94 = arith.constant 2 : i32
      %mul3A_95 = arith.muli %scan3A_93, %mul3A_94 : i32
      %add3A_96 = arith.constant 0 : i32
      %add3A_97 = arith.addi %mul3A_95, %add3A_96 : i32
      %sub3A = arith.constant 2 : i32
      %sub3A_98 = arith.subi %add3A_97, %sub3A : i32
      %add3A_99 = arith.addi %mul3A_2, %sub3A_98 : i32
      %dma_wait3A_100 = arith.constant 0 : i32
      %dma_wait3A_101 = arith.constant 0 : i32
      %dma_wait3A_102 = tpu.memref_slice %arg3[%add3A_99, %dma_wait3A_100, %dma_wait3A_101] : memref<1024x26x1000xi32, #tpu.memory_space<hbm>> -> memref<1x26x1000xi32, #tpu.memory_space<hbm>>
      %dma_wait3A_103 = arith.constant 0 : i32
      %dma_wait3A_104 = arith.constant 0 : i32
      %dma_wait3A_105 = tpu.memref_slice %arg3[%add3A_99, %dma_wait3A_103, %dma_wait3A_104] : memref<1024x26x1000xi32, #tpu.memory_space<hbm>> -> memref<1x26x1000xi32, #tpu.memory_space<hbm>>
      tpu.wait_dma2 semaphore(%arg7 : memref<!tpu.dma_semaphore, #tpu.memory_space<semaphore_mem>>) src(%arg5 : memref<1x26x1000xi32, #tpu.memory_space<vmem>>) dst(%dma_wait3A_105 : memref<1x26x1000xi32, #tpu.memory_space<hbm>>)
      %sub3A_106 = arith.constant 2 : i32
      %sub3A_107 = arith.subi %add3A_97, %sub3A_106 : i32
      %add3A_108 = arith.constant 0 : i32
      %add3A_109 = vector.broadcast %add3A_108 : i32 to vector<16xi32>
      %add3A_110 = arith.addi %iota3A, %add3A_109 : vector<16xi32>
      %lt3A_111 = arith.constant 26 : i32
      %lt3A_112 = vector.broadcast %lt3A_111 : i32 to vector<16xi32>
      %lt3A_113 = arith.cmpi slt, %add3A_110, %lt3A_112 : vector<16xi32>
      %mul3A_114 = arith.constant 26 : i32
      %mul3A_115 = arith.muli %sub3A_107, %mul3A_114 : i32
      %add3A_116 = arith.constant 0 : i32
      %add3A_117 = arith.addi %mul3A_115, %add3A_116 : i32
      %get3A_118 = arith.index_cast %add3A_117 : i32 to index
      %get3A_119 = tpu.vector_load %arg4[%get3A_118] {strides = array<i32>} : memref<848xi32, #tpu.memory_space<vmem>>, vector<16xi32>,
      %broadcast_in_dim3A_120 = arith.constant 0 : i32
      %broadcast_in_dim3A_121 = vector.broadcast %broadcast_in_dim3A_120 : i32 to vector<16xi32>
      tpu.vector_store_idx %arg5[%broadcast_in_dim3A_121, %add3A_110, %get3A_119], %broadcast_in_dim3A_5 masked %lt3A_113 : memref<1x26x1000xi32, #tpu.memory_space<vmem>>[vector<16xi32>, vector<16xi32>, vector<16xi32>], vector<16xi32>, vector<16xi1>
      %add3A_122 = arith.constant 16 : i32
      %add3A_123 = vector.broadcast %add3A_122 : i32 to vector<16xi32>
      %add3A_124 = arith.addi %iota3A, %add3A_123 : vector<16xi32>
      %lt3A_125 = arith.constant 26 : i32
      %lt3A_126 = vector.broadcast %lt3A_125 : i32 to vector<16xi32>
      %lt3A_127 = arith.cmpi slt, %add3A_124, %lt3A_126 : vector<16xi32>
      %mul3A_128 = arith.constant 26 : i32
      %mul3A_129 = arith.muli %sub3A_107, %mul3A_128 : i32
      %add3A_130 = arith.constant 16 : i32
      %add3A_131 = arith.addi %mul3A_129, %add3A_130 : i32
      %get3A_132 = arith.index_cast %add3A_131 : i32 to index
      %get3A_133 = tpu.vector_load %arg4[%get3A_132] {strides = array<i32>} : memref<848xi32, #tpu.memory_space<vmem>>, vector<16xi32>,
      %broadcast_in_dim3A_134 = arith.constant 0 : i32
      %broadcast_in_dim3A_135 = vector.broadcast %broadcast_in_dim3A_134 : i32 to vector<16xi32>
      tpu.vector_store_idx %arg5[%broadcast_in_dim3A_135, %add3A_124, %get3A_133], %broadcast_in_dim3A_5 masked %lt3A_127 : memref<1x26x1000xi32, #tpu.memory_space<vmem>>[vector<16xi32>, vector<16xi32>, vector<16xi32>], vector<16xi32>, vector<16xi1>
      %add3A_136 = arith.constant 0 : i32
      %add3A_137 = vector.broadcast %add3A_136 : i32 to vector<16xi32>
      %add3A_138 = arith.addi %iota3A, %add3A_137 : vector<16xi32>
      %lt3A_139 = arith.constant 26 : i32
      %lt3A_140 = vector.broadcast %lt3A_139 : i32 to vector<16xi32>
      %lt3A_141 = arith.cmpi slt, %add3A_138, %lt3A_140 : vector<16xi32>
      %mul3A_142 = arith.constant 26 : i32
      %mul3A_143 = arith.muli %add3A_97, %mul3A_142 : i32
      %add3A_144 = arith.constant 0 : i32
      %add3A_145 = arith.addi %mul3A_143, %add3A_144 : i32
      %get3A_146 = arith.index_cast %add3A_145 : i32 to index
      %get3A_147 = tpu.vector_load %arg4[%get3A_146] {strides = array<i32>} : memref<848xi32, #tpu.memory_space<vmem>>, vector<16xi32>,
      %broadcast_in_dim3A_148 = arith.constant 0 : i32
      %broadcast_in_dim3A_149 = vector.broadcast %broadcast_in_dim3A_148 : i32 to vector<16xi32>
      tpu.vector_store_idx %arg5[%broadcast_in_dim3A_149, %add3A_138, %get3A_147], %broadcast_in_dim3A_7 masked %lt3A_141 : memref<1x26x1000xi32, #tpu.memory_space<vmem>>[vector<16xi32>, vector<16xi32>, vector<16xi32>], vector<16xi32>, vector<16xi1>
      %add3A_150 = arith.constant 16 : i32
      %add3A_151 = vector.broadcast %add3A_150 : i32 to vector<16xi32>
      %add3A_152 = arith.addi %iota3A, %add3A_151 : vector<16xi32>
      %lt3A_153 = arith.constant 26 : i32
      %lt3A_154 = vector.broadcast %lt3A_153 : i32 to vector<16xi32>
      %lt3A_155 = arith.cmpi slt, %add3A_152, %lt3A_154 : vector<16xi32>
      %mul3A_156 = arith.constant 26 : i32
      %mul3A_157 = arith.muli %add3A_97, %mul3A_156 : i32
      %add3A_158 = arith.constant 16 : i32
      %add3A_159 = arith.addi %mul3A_157, %add3A_158 : i32
      %get3A_160 = arith.index_cast %add3A_159 : i32 to index
      %get3A_161 = tpu.vector_load %arg4[%get3A_160] {strides = array<i32>} : memref<848xi32, #tpu.memory_space<vmem>>, vector<16xi32>,
      %broadcast_in_dim3A_162 = arith.constant 0 : i32
      %broadcast_in_dim3A_163 = vector.broadcast %broadcast_in_dim3A_162 : i32 to vector<16xi32>
      tpu.vector_store_idx %arg5[%broadcast_in_dim3A_163, %add3A_152, %get3A_161], %broadcast_in_dim3A_7 masked %lt3A_155 : memref<1x26x1000xi32, #tpu.memory_space<vmem>>[vector<16xi32>, vector<16xi32>, vector<16xi32>], vector<16xi32>, vector<16xi1>
      %add3A_164 = arith.addi %mul3A_2, %add3A_97 : i32
      %dma_start3A_165 = arith.constant 0 : i32
      %dma_start3A_166 = arith.constant 0 : i32
      %dma_start3A_167 = tpu.memref_slice %arg3[%add3A_164, %dma_start3A_165, %dma_start3A_166] : memref<1024x26x1000xi32, #tpu.memory_space<hbm>> -> memref<1x26x1000xi32, #tpu.memory_space<hbm>>
      %dma_start3A_168 = arith.constant 0 : i32
      %dma_start3A_169 = arith.constant 0 : i32
      %dma_start3A_170 = tpu.memref_slice %arg3[%add3A_164, %dma_start3A_168, %dma_start3A_169] : memref<1024x26x1000xi32, #tpu.memory_space<hbm>> -> memref<1x26x1000xi32, #tpu.memory_space<hbm>>
      tpu.enqueue_dma source(%arg5 : memref<1x26x1000xi32, #tpu.memory_space<vmem>>) target(%dma_start3A_170 : memref<1x26x1000xi32, #tpu.memory_space<hbm>>) target_semaphore(%arg7 : memref<!tpu.dma_semaphore, #tpu.memory_space<semaphore_mem>>)
      %add3A_171 = arith.constant 1 : i32
      %add3A_172 = arith.addi %mul3A_95, %add3A_171 : i32
      %sub3A_173 = arith.constant 2 : i32
      %sub3A_174 = arith.subi %add3A_172, %sub3A_173 : i32
      %add3A_175 = arith.addi %mul3A_2, %sub3A_174 : i32
      %dma_wait3A_176 = arith.constant 0 : i32
      %dma_wait3A_177 = arith.constant 0 : i32
      %dma_wait3A_178 = tpu.memref_slice %arg3[%add3A_175, %dma_wait3A_176, %dma_wait3A_177] : memref<1024x26x1000xi32, #tpu.memory_space<hbm>> -> memref<1x26x1000xi32, #tpu.memory_space<hbm>>
      %dma_wait3A_179 = arith.constant 0 : i32
      %dma_wait3A_180 = arith.constant 0 : i32
      %dma_wait3A_181 = tpu.memref_slice %arg3[%add3A_175, %dma_wait3A_179, %dma_wait3A_180] : memref<1024x26x1000xi32, #tpu.memory_space<hbm>> -> memref<1x26x1000xi32, #tpu.memory_space<hbm>>
      tpu.wait_dma2 semaphore(%arg8 : memref<!tpu.dma_semaphore, #tpu.memory_space<semaphore_mem>>) src(%arg6 : memref<1x26x1000xi32, #tpu.memory_space<vmem>>) dst(%dma_wait3A_181 : memref<1x26x1000xi32, #tpu.memory_space<hbm>>)
      %sub3A_182 = arith.constant 2 : i32
      %sub3A_183 = arith.subi %add3A_172, %sub3A_182 : i32
      %add3A_184 = arith.constant 0 : i32
      %add3A_185 = vector.broadcast %add3A_184 : i32 to vector<16xi32>
      %add3A_186 = arith.addi %iota3A, %add3A_185 : vector<16xi32>
      %lt3A_187 = arith.constant 26 : i32
      %lt3A_188 = vector.broadcast %lt3A_187 : i32 to vector<16xi32>
      %lt3A_189 = arith.cmpi slt, %add3A_186, %lt3A_188 : vector<16xi32>
      %mul3A_190 = arith.constant 26 : i32
      %mul3A_191 = arith.muli %sub3A_183, %mul3A_190 : i32
      %add3A_192 = arith.constant 0 : i32
      %add3A_193 = arith.addi %mul3A_191, %add3A_192 : i32
      %get3A_194 = arith.index_cast %add3A_193 : i32 to index
      %get3A_195 = tpu.vector_load %arg4[%get3A_194] {strides = array<i32>} : memref<848xi32, #tpu.memory_space<vmem>>, vector<16xi32>,
      %broadcast_in_dim3A_196 = arith.constant 0 : i32
      %broadcast_in_dim3A_197 = vector.broadcast %broadcast_in_dim3A_196 : i32 to vector<16xi32>
      tpu.vector_store_idx %arg6[%broadcast_in_dim3A_197, %add3A_186, %get3A_195], %broadcast_in_dim3A_5 masked %lt3A_189 : memref<1x26x1000xi32, #tpu.memory_space<vmem>>[vector<16xi32>, vector<16xi32>, vector<16xi32>], vector<16xi32>, vector<16xi1>
      %add3A_198 = arith.constant 16 : i32
      %add3A_199 = vector.broadcast %add3A_198 : i32 to vector<16xi32>
      %add3A_200 = arith.addi %iota3A, %add3A_199 : vector<16xi32>
      %lt3A_201 = arith.constant 26 : i32
      %lt3A_202 = vector.broadcast %lt3A_201 : i32 to vector<16xi32>
      %lt3A_203 = arith.cmpi slt, %add3A_200, %lt3A_202 : vector<16xi32>
      %mul3A_204 = arith.constant 26 : i32
      %mul3A_205 = arith.muli %sub3A_183, %mul3A_204 : i32
      %add3A_206 = arith.constant 16 : i32
      %add3A_207 = arith.addi %mul3A_205, %add3A_206 : i32
      %get3A_208 = arith.index_cast %add3A_207 : i32 to index
      %get3A_209 = tpu.vector_load %arg4[%get3A_208] {strides = array<i32>} : memref<848xi32, #tpu.memory_space<vmem>>, vector<16xi32>,
      %broadcast_in_dim3A_210 = arith.constant 0 : i32
      %broadcast_in_dim3A_211 = vector.broadcast %broadcast_in_dim3A_210 : i32 to vector<16xi32>
      tpu.vector_store_idx %arg6[%broadcast_in_dim3A_211, %add3A_200, %get3A_209], %broadcast_in_dim3A_5 masked %lt3A_203 : memref<1x26x1000xi32, #tpu.memory_space<vmem>>[vector<16xi32>, vector<16xi32>, vector<16xi32>], vector<16xi32>, vector<16xi1>
      %add3A_212 = arith.constant 0 : i32
      %add3A_213 = vector.broadcast %add3A_212 : i32 to vector<16xi32>
      %add3A_214 = arith.addi %iota3A, %add3A_213 : vector<16xi32>
      %lt3A_215 = arith.constant 26 : i32
      %lt3A_216 = vector.broadcast %lt3A_215 : i32 to vector<16xi32>
      %lt3A_217 = arith.cmpi slt, %add3A_214, %lt3A_216 : vector<16xi32>
      %mul3A_218 = arith.constant 26 : i32
      %mul3A_219 = arith.muli %add3A_172, %mul3A_218 : i32
      %add3A_220 = arith.constant 0 : i32
      %add3A_221 = arith.addi %mul3A_219, %add3A_220 : i32
      %get3A_222 = arith.index_cast %add3A_221 : i32 to index
      %get3A_223 = tpu.vector_load %arg4[%get3A_222] {strides = array<i32>} : memref<848xi32, #tpu.memory_space<vmem>>, vector<16xi32>,
      %broadcast_in_dim3A_224 = arith.constant 0 : i32
      %broadcast_in_dim3A_225 = vector.broadcast %broadcast_in_dim3A_224 : i32 to vector<16xi32>
      tpu.vector_store_idx %arg6[%broadcast_in_dim3A_225, %add3A_214, %get3A_223], %broadcast_in_dim3A_7 masked %lt3A_217 : memref<1x26x1000xi32, #tpu.memory_space<vmem>>[vector<16xi32>, vector<16xi32>, vector<16xi32>], vector<16xi32>, vector<16xi1>
      %add3A_226 = arith.constant 16 : i32
      %add3A_227 = vector.broadcast %add3A_226 : i32 to vector<16xi32>
      %add3A_228 = arith.addi %iota3A, %add3A_227 : vector<16xi32>
      %lt3A_229 = arith.constant 26 : i32
      %lt3A_230 = vector.broadcast %lt3A_229 : i32 to vector<16xi32>
      %lt3A_231 = arith.cmpi slt, %add3A_228, %lt3A_230 : vector<16xi32>
      %mul3A_232 = arith.constant 26 : i32
      %mul3A_233 = arith.muli %add3A_172, %mul3A_232 : i32
      %add3A_234 = arith.constant 16 : i32
      %add3A_235 = arith.addi %mul3A_233, %add3A_234 : i32
      %get3A_236 = arith.index_cast %add3A_235 : i32 to index
      %get3A_237 = tpu.vector_load %arg4[%get3A_236] {strides = array<i32>} : memref<848xi32, #tpu.memory_space<vmem>>, vector<16xi32>,
      %broadcast_in_dim3A_238 = arith.constant 0 : i32
      %broadcast_in_dim3A_239 = vector.broadcast %broadcast_in_dim3A_238 : i32 to vector<16xi32>
      tpu.vector_store_idx %arg6[%broadcast_in_dim3A_239, %add3A_228, %get3A_237], %broadcast_in_dim3A_7 masked %lt3A_231 : memref<1x26x1000xi32, #tpu.memory_space<vmem>>[vector<16xi32>, vector<16xi32>, vector<16xi32>], vector<16xi32>, vector<16xi1>
      %add3A_240 = arith.addi %mul3A_2, %add3A_172 : i32
      %dma_start3A_241 = arith.constant 0 : i32
      %dma_start3A_242 = arith.constant 0 : i32
      %dma_start3A_243 = tpu.memref_slice %arg3[%add3A_240, %dma_start3A_241, %dma_start3A_242] : memref<1024x26x1000xi32, #tpu.memory_space<hbm>> -> memref<1x26x1000xi32, #tpu.memory_space<hbm>>
      %dma_start3A_244 = arith.constant 0 : i32
      %dma_start3A_245 = arith.constant 0 : i32
      %dma_start3A_246 = tpu.memref_slice %arg3[%add3A_240, %dma_start3A_244, %dma_start3A_245] : memref<1024x26x1000xi32, #tpu.memory_space<hbm>> -> memref<1x26x1000xi32, #tpu.memory_space<hbm>>
      tpu.enqueue_dma source(%arg6 : memref<1x26x1000xi32, #tpu.memory_space<vmem>>) target(%dma_start3A_246 : memref<1x26x1000xi32, #tpu.memory_space<hbm>>) target_semaphore(%arg8 : memref<!tpu.dma_semaphore, #tpu.memory_space<semaphore_mem>>)
    }
    %scan3A_77 = arith.constant 15 : i32
    %add3A_78 = arith.constant 30 : i32
    %add3A_79 = arith.addi %mul3A_2, %add3A_78 : i32
    %dma_wait3A = arith.constant 0 : i32
    %dma_wait3A_80 = arith.constant 0 : i32
    %dma_wait3A_81 = tpu.memref_slice %arg3[%add3A_79, %dma_wait3A, %dma_wait3A_80] : memref<1024x26x1000xi32, #tpu.memory_space<hbm>> -> memref<1x26x1000xi32, #tpu.memory_space<hbm>>
    %dma_wait3A_82 = arith.constant 0 : i32
    %dma_wait3A_83 = arith.constant 0 : i32
    %dma_wait3A_84 = tpu.memref_slice %arg3[%add3A_79, %dma_wait3A_82, %dma_wait3A_83] : memref<1024x26x1000xi32, #tpu.memory_space<hbm>> -> memref<1x26x1000xi32, #tpu.memory_space<hbm>>
    tpu.wait_dma2 semaphore(%arg7 : memref<!tpu.dma_semaphore, #tpu.memory_space<semaphore_mem>>) src(%arg5 : memref<1x26x1000xi32, #tpu.memory_space<vmem>>) dst(%dma_wait3A_84 : memref<1x26x1000xi32, #tpu.memory_space<hbm>>)
    %add3A_85 = arith.constant 31 : i32
    %add3A_86 = arith.addi %mul3A_2, %add3A_85 : i32
    %dma_wait3A_87 = arith.constant 0 : i32
    %dma_wait3A_88 = arith.constant 0 : i32
    %dma_wait3A_89 = tpu.memref_slice %arg3[%add3A_86, %dma_wait3A_87, %dma_wait3A_88] : memref<1024x26x1000xi32, #tpu.memory_space<hbm>> -> memref<1x26x1000xi32, #tpu.memory_space<hbm>>
    %dma_wait3A_90 = arith.constant 0 : i32
    %dma_wait3A_91 = arith.constant 0 : i32
    %dma_wait3A_92 = tpu.memref_slice %arg3[%add3A_86, %dma_wait3A_90, %dma_wait3A_91] : memref<1024x26x1000xi32, #tpu.memory_space<hbm>> -> memref<1x26x1000xi32, #tpu.memory_space<hbm>>
    tpu.wait_dma2 semaphore(%arg8 : memref<!tpu.dma_semaphore, #tpu.memory_space<semaphore_mem>>) src(%arg6 : memref<1x26x1000xi32, #tpu.memory_space<vmem>>) dst(%dma_wait3A_92 : memref<1x26x1000xi32, #tpu.memory_space<hbm>>)
    return
  }
}

</mosaic_0001>

<sc_bundles>
// kernel: kernel.3.cloned.1.call-start
scs
__scs_entry_jumppad:
0x0: {  	(pc) =	sbr.rel $0x88, $3  }
0x1: {  	(tag) =	ssettag $0x0;
	lr =	simm.s32 $0x1  }
0x2: {  	[smem:$0x3FA0] =	sst lr;
	_ =	strace $0xD0000000  }
0x3: {  	_ = 	snop  }
0x4: {  	_ = 	snop  }
0x5: {  	_ = 	snop  }
0x6: {  	_ = 	snop  }
0x7: {  	_ = 	snop  }
__scs_overlays_trampoline_lowered:
0x8: {  	[smem:$0x3FAF] =	sst s0  }
0x9: {  	[smem:$0x3FB0] =	sst s1  }
0xa: {  	[smem:$0x3FB1] =	sst s2  }
0xb: {  	[smem:$0x3FB2] =	sst s3  }
0xc: {  	[smem:$0x3FB3] =	sst s4  }
0xd: {  	[smem:$0x3FB4] =	sst s5  }
0xe: {  	[smem:$0x3FB5] =	sst s6  }
0xf: {  	[smem:$0x3FB6] =	sst s7  }
0x10: {  	[smem:$0x3FB7] =	sst s8  }
0x11: {  	[smem:$0x3FB8] =	sst s9;
	s0 =	simm.s32 @!p0 $0x0  }
0x12: {  	s1 =	sld [smem:$0x3F9E];
	s0 =	simm.s32 @p0 $0x1  }
0x13: {  	[smem:$0x3FB9] =	sst s0;
	s0 =	simm.s32 @!p1 $0x0  }
0x14: {  	s2 =	sld [smem:$0x3F9D];
	s0 =	simm.s32 @p1 $0x1  }
0x15: {  	[smem:$0x3FBA] =	sst s0;
	s0 =	simm.s32 @!p2 $0x0  }
0x16: {  	s3 =	sld [smem:$0x3FDB];
	s0 =	simm.s32 @p2 $0x1  }
0x17: {  	s4 =	simm.s32 $0x1BF5;
	[smem:$0x3FBC] =	sst s0  }
0x18: {  	s0 =	sld [smem:$0x3F9F];
	_ =	swait.ge [sflag:s4], $0x0  }
0x19: {  	s7 =	sld [smem:$0x3FA0]  }
0x1a: {  	s8 =	sadd.s32 $0xFFFFE003, lr  }
0x1b: {  	s9 =	sadd.s32 $0xFFFFFEF7, lr;
	s5 =	simm.s32 $0xFFFFFFFF;
	p2 =	slt.u32 s8, $0xFFFFF086  }
0x1c: {  	p1 =	slt.u32 s9, $0xF7A;
	s5 =	simm.s32 @!p2 $0x0  }
0x1d: {  	s5 =	simm.s32 @p1 $0x1;
	p0 =	seq.s32 s7, s2  }
0x1e: {  	s7 =	smul.u32 @!p0 $0xF7A, s2;
	p2 =	seq.s32 @!p0 s5, $0x0  }
0x1f: {  	s9 =	smul.u32 $0xF7A, s1;
	s8 =	simm.s32 @!p0 $0x1BF5;
	p2 =	por !p2, p0  }
0x20: {  	[sflag:s8] =	ssyncset.s32 @!p0 $0xFFFFF086;
	s6 =	sadd.s32 @!p0 s3, s7;
	s7 =	simm.s32 @!p0 $0x108  }
0x21: {  	s3 =	sadd.s32 s3, s9;
	s6 =	sadd.s32 @!p0 $0x88, s6;
	s7 =	simm.s32 @p2 $0x1082  }
0x22: {  	[simem:s7], [sflag:s8] =	dma.local @!p0 [hbm:s6], $0xF7A  }
0x23: {  	s9 =	sor.u32 $0xD0000000, s2;
	s6 =	simm.s32 $0x108;
	_ =	swait.ge @!p0 [sflag:s8], $0x0  }
0x24: {  	s3 =	sadd.s32 $0x88, s3;
	s6 =	simm.s32 @!p1 $0x1082;
	[sflag:s4] =	ssyncset.s32 $0xFFFFF086  }
0x25: {  	[simem:s6], [sflag:s4] =	dma.local [hbm:s3], $0xF7A  }
0x26: {  	[smem:$0x3FA0] =	sst s1;
	(tag) =	ssettag s2;
	_ =	strace s9  }
0x27: {  	s1 =	sld [smem:$0x3FB0]  }
0x28: {  	s2 =	sld [smem:$0x3FB1]  }
0x29: {  	s4 =	sld [smem:$0x3FB3]  }
0x2a: {  	p0 =	seq.s32 s5, $0x0;
	s5 =	sld [smem:$0x3FB4]  }
0x2b: {  	s6 =	sld [smem:$0x3FB5]  }
0x2c: {  	s7 =	sld [smem:$0x3FB6]  }
0x2d: {  	s3 =	simm.s32 $0x108;
	s8 =	sld [smem:$0x3FB7]  }
0x2e: {  	s3 =	simm.s32 @!p0 $0x1082;
	s9 =	sld [smem:$0x3FB8]  }
0x2f: {  	lr =	sadd.s32 s0, s3;
	s0 =	sld [smem:$0x3FAF]  }
0x30: {  	s3 =	sld [smem:$0x3FB2]  }
0x31: {  	[smem:$0x3FBB] =	sst s10  }
0x32: {  	s10 =	sld [smem:$0x3FB9];
	_ =	sdelay $0x3  }
0x33: {  	p0 =	seq.s32 s10, $0x1;
	s10 =	sld [smem:$0x3FBB];
	_ =	sdelay $0x3  }
0x34: {  	[smem:$0x3FBB] =	sst s10  }
0x35: {  	s10 =	sld [smem:$0x3FBA];
	_ =	sdelay $0x3  }
0x36: {  	p1 =	seq.s32 s10, $0x1;
	s10 =	sld [smem:$0x3FBB];
	_ =	sdelay $0x3  }
0x37: {  	[smem:$0x3FBB] =	sst s10  }
0x38: {  	s10 =	sld [smem:$0x3FBC]  }
0x39: {  	_ = 	snop;
	(pc) =	sbr.ind lr, $3  }
0x3a: {  	_ = 	snop  }
0x3b: {  	_ = 	snop  }
0x3c: {  	p2 =	seq.s32 s10, $0x1;
	s10 =	sld [smem:$0x3FBB]  }
0x3d: {  	_ =	shalt  }
0x3e: {  	_ =	shalt  }
0x3f: {  	_ =	shalt  }
0x40: {  	_ =	shalt  }
0x41: {  	_ =	shalt  }
0x42: {  	_ =	shalt  }
0x43: {  	_ =	shalt  }
0x44: {  	_ =	shalt  }
0x45: {  	_ =	shalt  }
0x46: {  	_ =	shalt  }
0x47: {  	_ =	shalt  }
0x48: {  	_ =	shalt  }
0x49: {  	_ =	shalt  }
0x4a: {  	_ =	shalt  }
0x4b: {  	_ =	shalt  }
0x4c: {  	_ =	shalt  }
0x4d: {  	_ =	shalt  }
0x4e: {  	_ =	shalt  }
0x4f: {  	_ =	shalt  }
0x50: {  	_ =	shalt  }
0x51: {  	_ =	shalt  }
0x52: {  	_ =	shalt  }
0x53: {  	_ =	shalt  }
0x54: {  	_ =	shalt  }
0x55: {  	_ =	shalt  }
0x56: {  	_ =	shalt  }
0x57: {  	_ =	shalt  }
0x58: {  	_ =	shalt  }
0x59: {  	_ =	shalt  }
0x5a: {  	_ =	shalt  }
0x5b: {  	_ =	shalt  }
0x5c: {  	_ =	shalt  }
0x5d: {  	_ =	shalt  }
0x5e: {  	_ =	shalt  }
0x5f: {  	_ =	shalt  }
0x60: {  	_ =	shalt  }
0x61: {  	_ =	shalt  }
0x62: {  	_ =	shalt  }
0x63: {  	_ =	shalt  }
0x64: {  	_ =	shalt  }
0x65: {  	_ =	shalt  }
0x66: {  	_ =	shalt  }
0x67: {  	_ =	shalt  }
0x68: {  	_ =	shalt  }
0x69: {  	_ =	shalt  }
0x6a: {  	_ =	shalt  }
0x6b: {  	_ =	shalt  }
0x6c: {  	_ =	shalt  }
0x6d: {  	_ =	shalt  }
0x6e: {  	_ =	shalt  }
0x6f: {  	_ =	shalt  }
0x70: {  	_ =	shalt  }
0x71: {  	_ =	shalt  }
0x72: {  	_ =	shalt  }
0x73: {  	_ =	shalt  }
0x74: {  	_ =	shalt  }
0x75: {  	_ =	shalt  }
0x76: {  	_ =	shalt  }
0x77: {  	_ =	shalt  }
0x78: {  	_ =	shalt  }
0x79: {  	_ =	shalt  }
0x7a: {  	_ =	shalt  }
0x7b: {  	_ =	shalt  }
0x7c: {  	_ =	shalt  }
0x7d: {  	_ =	shalt  }
0x7e: {  	_ =	shalt  }
0x7f: {  	_ =	shalt  }
0x80: {  	_ =	shalt  }
0x81: {  	_ =	shalt  }
0x82: {  	_ =	shalt  }
0x83: {  	_ =	shalt  }
0x84: {  	_ =	shalt  }
0x85: {  	_ =	shalt  }
0x86: {  	_ =	shalt  }
0x87: {  	_ =	shalt  }
.Lfunc_end0:
.L_simem_size_0:
called_computation_lowered:
.L_overlay_start_0:
0x88: {  	s2 =	sld [smem:$0x3FD9]  }
0x89: {  	s3 =	sld [smem:$0x3FFE];
	_ =	sdelay $0x1  }
0x8a: {  	s1 =	srdreg.scid  }
0x8b: {  	s0 =	sand.u32 $0x1, s1  }
0x8c: {  	s17 =	sshll.u32 s0, $0xA;
	s2 =	sadd.s32 s3, s2  }
0x8d: {  	s2 =	sadd.s32 s2, s17  }
0x8e: {  	[smem:$0x3FC7] =	sst s2  }
0x8f: {  	_ = 	snop  }
0x90: {  	s2 =	sld [smem:$0x3FD0];
	(tm) =	ssettm $0x1  }
0x91: {  	s18 =	sld [smem:$0x3FFB];
	_ =	sdelay $0x3  }
0x92: {  	_ =	strace s18  }
0x93: {  	s3 =	sld [smem:$0x3FFC];
	_ =	sdelay $0x3  }
0x94: {  	_ =	strace s3  }
0x95: {  	s3 =	sld [smem:$0x3FFD];
	_ =	sdelay $0x3  }
0x96: {  	_ =	strace s3  }
0x97: {  	_ =	strace $0x8FFFFFFF  }
0x98: {  	s19 =	sld [smem:$0x3FDB];
	_ =	sdelay $0x1  }
0x99: {  	s4 =	simm.s32 $_scs_section_size  }
0x9a: {  	s5 =	simm.s32 $_size__tile_overlayer_lowered;
	s6 =	simm.s32 $_tile_overlayer_lowered  }
0x9b: {  	s22 =	simm.s32 $0x1BFF;
	s21 =	sshll.u32 s6, $0x1;
	s3 =	sadd.s32 s4, s19  }
0x9c: {  	s7 =	simm.s32 $0x0;
	s20 =	sshll.u32 s5, $0x1;
	s5 =	sadd.s32 s21, s3  }
0x9d: {  	[timem:s7], [sflag:s22] =	dma.local [hbm:s5], s20  }
0x9e: {  	_ =	swait.ge [sflag:s22], s20  }
0x9f: {  	s4 =	ssub.s32 $0x0, s20;
	[sflag:s22] =	ssyncset.done $0x0  }
0xa0: {  	[sflag:s22] =	ssyncadd.s32 s4;
	_ =	sdelay $0x1  }
0xa1: {  	s23 =	simm.s32 $0x1B8B  }
0xa2: {  	_ =	swait.ge [sflag:s23], $0x1  }
0xa3: {  	[sflag:s23] =	ssyncset.done $0x0  }
0xa4: {  	s25 =	simm.s32 $0x1B8E;
	s24 =	sld [smem:$0x3FFE];
	[sflag:s23] =	ssyncadd.s32 $0xFFFFFFFF  }
0xa5: {  	s26 =	simm.s32 $execute0_lowered;
	[smem:$0x3FD2] =	sst s25  }
0xa6: {  	s5 =	sshll.u32 s26, $0x1;
	_ =	strace $0x80000046;
	[dreg:$0x1] =	wrdreg $0xFFFFFFFF  }
0xa7: {  	s28 =	simm.s32 $_size_execute0_lowered;
	s3 =	sadd.s32 s3, s5;
	[dreg:$0x0] =	wrdreg $0x0  }
0xa8: {  	s5 =	sshll.u32 s28, $0x1;
	[dreg:$0x2] =	wrdreg s3  }
0xa9: {  	[dreg:$0x3] =	wrdreg s5  }
0xaa: {  	[dreg:$0x4] =	wrdreg $0xC0  }
0xab: {  	_ =	task [dreg:s7], $0x5FFFF  }
0xac: {  	[dreg:$0x1] =	wrdreg $0xFFFFFFFF  }
0xad: {  	[dreg:$0x0] =	wrdreg $0x60  }
0xae: {  	[dreg:$0x2] =	wrdreg s2  }
0xaf: {  	[dreg:$0x3] =	wrdreg s24  }
0xb0: {  	[dreg:$0x4] =	wrdreg $0x9  }
0xb1: {  	_ =	task.clear_ibuf [dreg:s7], $0x5FFFF;
	_ =	strace $0x90000046  }
0xb2: {  	s29 =	simm.s32 $0x9;
	_ =	strace $0x80000048  }
0xb3: {  	_ =	swait.ge [sflag:s29], $0x1  }
0xb4: {  	[sflag:s29] =	ssyncadd.s32 $0xFFFFFFFF  }
0xb5: {  	_ =	strace $0x90000048  }
0xb6: {  	_ =	sfence  }
0xb7: {  	s30 =	sld [smem:$0x0];
	_ =	sdelay $0x2  }
0xb8: {  	s31 =	sshll.u32 s1, $0xD;
	s1 =	sshrl.u32 s1, $0x2  }
0xb9: {  	s3 =	sand.u32 $0x4000, s31;
	s1 =	sadd.s32 s1, s30  }
0xba: {  	s0 =	sor.u32 s3, s0;
	s1 =	sshll.u32 s1, $0x11  }
0xbb: {  	s0 =	sor.u32 s1, s0  }
0xbc: {  	s0 =	sadd.s32 $0x8F2B, s0  }
0xbd: {  	[sflag:s0] =	ssyncadd.remote.s32 $0x1  }
0xbe: {  	_ =	sfence.sel $0xFFFF  }
0xbf: {  	[dreg:$0x0] =	wrdreg $0xFFFFFFFF;
	(pc) =	sbr.abs _section_cstart, $3  }
0xc0: {  	[dreg:$0x1] =	wrdreg $0xFFFFFFFF  }
0xc1: {  	_ =	task.clear_ibuf [dreg:s7], $0x2FFFF;
	_ =	strace $0x9FFFFFFF  }
0xc2: {  	(tm) =	ssettm $0x7FFFFFFF  }
0xc3: {  	_ =	shalt  }
tec
execute0_lowered:
.L_overlay_start_1:
0x0: {  	(tag) =	ssettag $0x1  }
0x1: {  	v0 =	vimm.s32 $0x0  }
0x2: {  	v1 =	vimm.s32 $0x2380;
	vm0 =	vcmask $0x300;
	v2 =	vimm.s32 $0x6380  }
0x3: {  	vm1 =	vcmask $0x704;
	v1 =	vsel vm0, $0x0, v1;
	v2 =	vsel vm0, $0x4000, v2  }
0x4: {  	vm15 =	vcmask $0xB08;
	v1 =	vsel vm1, $0x80, v1;
	v2 =	vsel vm1, $0x4080, v2  }
0x5: {  	s4 =	rddreg [dreg:$0x0];
	vm4 =	vcmask $0xF0C;
	v1 =	vsel vm15, $0x100, v1;
	v2 =	vsel vm15, $0x4100, v2  }
0x6: {  	s3 =	rddreg [dreg:$0x1];
	vm5 =	vcmask $0x1310;
	v1 =	vsel vm4, $0x180, v1;
	v2 =	vsel vm4, $0x4180, v2  }
0x7: {  	s0 =	rddreg [dreg:$0x2];
	vm6 =	vcmask $0x1714;
	v1 =	vsel vm5, $0x200, v1;
	v2 =	vsel vm5, $0x4200, v2  }
0x8: {  	s2 =	simm.s32 $0x0;
	s5 =	srdreg.scid;
	s1 =	stileid.u32;
	vm7 =	vcmask $0x1B18;
	v1 =	vsel vm6, $0x280, v1;
	v2 =	vsel vm6, $0x4280, v2  }
0x9: {  	vm8 =	vcmask $0x1F1C;
	s11 =	simm.s32 $0x8380;
	s12 =	simm.s32 $0x1;
	s13 =	simm.s32 $0x2;
	v1 =	vsel vm7, $0x300, v1;
	v2 =	vsel vm7, $0x4300, v2  }
0xa: {  	vm9 =	vcmask $0x2320;
	s14 =	simm.s32 $0x0;
	[smem:$0x7FF] =	sst s2;
	s5 =	sand.u32 $0x1, s5;
	v1 =	vsel vm8, $0x380, v1;
	v2 =	vsel vm8, $0x4380, v2  }
0xb: {  	vm10 =	vcmask $0x2724;
	s6 =	sshll.u32 s1, $0x1;
	s8 =	sadd.s32 $0x400, s3;
	s10 =	sshll.u32 s1, $0x12;
	v1 =	vsel vm9, $0x2000, v1;
	v2 =	vsel vm9, $0x6000, v2  }
0xc: {  	vm11 =	vcmask $0x2B28;
	_ =	strace $0x80000047;
	s7 =	ssub.s32 $0x2, s5;
	s6 =	sor.u32 s5, s6;
	v1 =	vsel vm10, $0x2080, v1;
	v2 =	vsel vm10, $0x6080, v2  }
0xd: {  	vm12 =	vcmask $0x2F2C;
	s5 =	sshll.u32 s5, $0x11;
	s30 =	sshrl.u32 s7, $0x1;
	s9 =	smul.u32 $0x68, s6;
	v1 =	vsel vm11, $0x2100, v1;
	v2 =	vsel vm11, $0x6100, v2  }
0xe: {  	vm13 =	vcmask $0x3330;
	s6 =	sshll.u32 s6, $0x11;
	s31 =	sor.u32 s5, s10;
	s10 =	simm.s32 $0x380;
	v1 =	vsel vm12, $0x2180, v1;
	v2 =	vsel vm12, $0x6180, v2  }
0xf: {  	vm14 =	vcmask $0x3734;
	s7 =	ssub.s32 s7, s30;
	s3 =	sadd.s32 s8, s6;
	s8 =	sadd.s32 s31, s8;
	v1 =	vsel vm13, $0x2200, v1;
	v2 =	vsel vm13, $0x6200, v2  }
0x10: {  	vm15 =	vcmask $0x3B38;
	s4 =	sadd.s32 s4, s9;
	s5 =	sadd.s32 $0x1000, s3;
	s6 =	smax.u32 s7, $0x1;
	v1 =	vsel vm14, $0x2280, v1;
	v3 =	vsel vm14, $0x6280, v2  }
0x11: {  	s7 =	sadd.s32 $0x2000, s8;
	s8 =	sadd.s32 $0x3000, s8;
	s9 =	simm.s32 $0x3;
	v2 =	vimm.s32 $0x1;
	v1 =	vsel vm15, $0x2300, v1;
	v3 =	vsel vm15, $0x6300, v3  }
.LBB2_1:
0x12: {  	[tilespmem:s2], [sflag:$0x3] =	stream.linear.gather [hbm4b:s4+s2], $0x340, $0x38;
	[tilespmem:$0x10380] =	vst v63  }
0x13: {  	s15 =	simm.s32 $0xFFFF9800;
	_ =	swait.ge [sflag:s9], $0x340  }
0x14: {  	s16 =	simm.s32 $0xFFFF9800;
	s17 =	simm.s32 $0x0;
	[sflag:s9] =	ssyncset.done $0x0  }
0x15: {  	s18 =	simm.s32 $0x0;
	s19 =	simm.s32 $0x0;
	[sflag:s9] =	ssyncadd.s32 $0xFFFFFCC0  }
.LBB2_2:
0x16: {  	s20 =	sadd.s32 $0x6800, s16  }
0x17: {  	s21 =	sand.u32 $0x380, s19;
	s20 =	sand.u32 $0x6000, s20  }
0x18: {  	s20 =	sor.u32 s21, s20  }
0x19: {  	[tilespmem:s20+$0x380] =	vst v0  }
0x1a: {  	[tilespmem:s20+$0x390] =	vst v0  }
0x1b: {  	[tilespmem:s20+$0x3A0] =	vst v0  }
0x1c: {  	[tilespmem:s20+$0x3B0] =	vst v0  }
0x1d: {  	[tilespmem:s20+$0x3C0] =	vst v0  }
0x1e: {  	[tilespmem:s20+$0x3D0] =	vst v0  }
0x1f: {  	[tilespmem:s20+$0x3E0] =	vst v0  }
0x20: {  	[tilespmem:s20+$0x3F0] =	vst v0  }
0x21: {  	[tilespmem:s20+$0x780] =	vst v0  }
0x22: {  	[tilespmem:s20+$0x790] =	vst v0  }
0x23: {  	[tilespmem:s20+$0x7A0] =	vst v0  }
0x24: {  	[tilespmem:s20+$0x7B0] =	vst v0  }
0x25: {  	[tilespmem:s20+$0x7C0] =	vst v0  }
0x26: {  	[tilespmem:s20+$0x7D0] =	vst v0  }
0x27: {  	[tilespmem:s20+$0x7E0] =	vst v0  }
0x28: {  	[tilespmem:s20+$0x7F0] =	vst v0  }
0x29: {  	[tilespmem:s20+$0xB80] =	vst v0  }
0x2a: {  	[tilespmem:s20+$0xB90] =	vst v0  }
0x2b: {  	[tilespmem:s20+$0xBA0] =	vst v0  }
0x2c: {  	[tilespmem:s20+$0xBB0] =	vst v0  }
0x2d: {  	[tilespmem:s20+$0xBC0] =	vst v0  }
0x2e: {  	[tilespmem:s20+$0xBD0] =	vst v0  }
0x2f: {  	[tilespmem:s20+$0xBE0] =	vst v0  }
0x30: {  	[tilespmem:s20+$0xBF0] =	vst v0  }
0x31: {  	[tilespmem:s20+$0xF80] =	vst v0  }
0x32: {  	[tilespmem:s20+$0xF90] =	vst v0  }
0x33: {  	[tilespmem:s20+$0xFA0] =	vst v0  }
0x34: {  	[tilespmem:s20+$0xFB0] =	vst v0  }
0x35: {  	[tilespmem:s20+$0xFC0] =	vst v0  }
0x36: {  	[tilespmem:s20+$0xFD0] =	vst v0  }
0x37: {  	[tilespmem:s20+$0xFE0] =	vst v0  }
0x38: {  	[tilespmem:s20+$0xFF0] =	vst v0  }
0x39: {  	[tilespmem:s20+$0x1380] =	vst v0  }
0x3a: {  	[tilespmem:s20+$0x1390] =	vst v0  }
0x3b: {  	[tilespmem:s20+$0x13A0] =	vst v0  }
0x3c: {  	[tilespmem:s20+$0x13B0] =	vst v0  }
0x3d: {  	[tilespmem:s20+$0x13C0] =	vst v0  }
0x3e: {  	[tilespmem:s20+$0x13D0] =	vst v0  }
0x3f: {  	[tilespmem:s20+$0x13E0] =	vst v0  }
0x40: {  	[tilespmem:s20+$0x13F0] =	vst v0  }
0x41: {  	[tilespmem:s20+$0x1780] =	vst v0  }
0x42: {  	[tilespmem:s20+$0x1790] =	vst v0  }
0x43: {  	[tilespmem:s20+$0x17A0] =	vst v0  }
0x44: {  	[tilespmem:s20+$0x17B0] =	vst v0  }
0x45: {  	[tilespmem:s20+$0x17C0] =	vst v0  }
0x46: {  	[tilespmem:s20+$0x17D0] =	vst v0  }
0x47: {  	[tilespmem:s20+$0x17E0] =	vst v0  }
0x48: {  	[tilespmem:s20+$0x17F0] =	vst v0  }
0x49: {  	[tilespmem:s20+$0x1B80] =	vst v0  }
0x4a: {  	[tilespmem:s20+$0x1B90] =	vst v0  }
0x4b: {  	[tilespmem:s20+$0x1BA0] =	vst v0  }
0x4c: {  	[tilespmem:s20+$0x1BB0] =	vst v0  }
0x4d: {  	s23 =	sand.u32 $0x7, s17;
	[tilespmem:s20+$0x1BC0] =	vst v0  }
0x4e: {  	s21 =	sshll.u32 s23, $0x7;
	[tilespmem:s20+$0x1BD0] =	vst v0  }
0x4f: {  	s21 =	sadd.s32 s21, s18;
	[tilespmem:s20+$0x1BE0] =	vst v0  }
0x50: {  	[tilespmem:s20+$0x1BF0] =	vst v0;
	s24 =	sor.u32 $0x1C00, s21  }
0x51: {  	s25 =	sor.u32 $0x1C10, s21;
	[tilespmem:s24+$0x380] =	vst v0  }
0x52: {  	p0 =	sne.s32 s19, $0xC80;
	s26 =	sor.u32 $0x1C20, s21;
	[tilespmem:s25+$0x380] =	vst v0  }
.Ltmp0:
0x53: {  	s28 =	sor.u32 $0x1C30, s21;
	[tilespmem:s26+$0x380] =	vst v0;
	(pc) =	sbr.rel @p0 .LBB2_2-.Ltmp0, $4  }
0x54: {  	s29 =	sor.u32 $0x1C40, s21;
	[tilespmem:s28+$0x380] =	vst v0  }
0x55: {  	s30 =	sor.u32 $0x1C50, s21;
	[tilespmem:s29+$0x380] =	vst v0  }
0x56: {  	s17 =	sadd.s32 $0x1, s17;
	s31 =	sor.u32 $0x1C58, s21;
	[tilespmem:s30+$0x380] =	vst v0  }
0x57: {  	s16 =	sadd.s32 $0x400, s16;
	s19 =	sadd.s32 $0x80, s19;
	s18 =	sadd.s32 $0x400, s18;
	[tilespmem:s31+$0x380] =	vst v0  }
0x58: {  	s16 =	simm.s32 $0x0;
	s17 =	simm.s32 $0x0;
	s18 =	simm.s32 $0x0  }
.LBB2_4:
0x59: {  	s19 =	sadd.s32 $0x6800, s15  }
0x5a: {  	s20 =	sand.u32 $0x380, s18;
	s19 =	sand.u32 $0x6000, s19  }
0x5b: {  	s19 =	sor.u32 s20, s19  }
0x5c: {  	[tilespmem:s19+$0x8380] =	vst v0  }
0x5d: {  	[tilespmem:s19+$0x8390] =	vst v0  }
0x5e: {  	[tilespmem:s19+$0x83A0] =	vst v0  }
0x5f: {  	[tilespmem:s19+$0x83B0] =	vst v0  }
0x60: {  	[tilespmem:s19+$0x83C0] =	vst v0  }
0x61: {  	[tilespmem:s19+$0x83D0] =	vst v0  }
0x62: {  	[tilespmem:s19+$0x83E0] =	vst v0  }
0x63: {  	[tilespmem:s19+$0x83F0] =	vst v0  }
0x64: {  	[tilespmem:s19+$0x8780] =	vst v0  }
0x65: {  	[tilespmem:s19+$0x8790] =	vst v0  }
0x66: {  	[tilespmem:s19+$0x87A0] =	vst v0  }
0x67: {  	[tilespmem:s19+$0x87B0] =	vst v0  }
0x68: {  	[tilespmem:s19+$0x87C0] =	vst v0  }
0x69: {  	[tilespmem:s19+$0x87D0] =	vst v0  }
0x6a: {  	[tilespmem:s19+$0x87E0] =	vst v0  }
0x6b: {  	[tilespmem:s19+$0x87F0] =	vst v0  }
0x6c: {  	[tilespmem:s19+$0x8B80] =	vst v0  }
0x6d: {  	[tilespmem:s19+$0x8B90] =	vst v0  }
0x6e: {  	[tilespmem:s19+$0x8BA0] =	vst v0  }
0x6f: {  	[tilespmem:s19+$0x8BB0] =	vst v0  }
0x70: {  	[tilespmem:s19+$0x8BC0] =	vst v0  }
0x71: {  	[tilespmem:s19+$0x8BD0] =	vst v0  }
0x72: {  	[tilespmem:s19+$0x8BE0] =	vst v0  }
0x73: {  	[tilespmem:s19+$0x8BF0] =	vst v0  }
0x74: {  	[tilespmem:s19+$0x8F80] =	vst v0  }
0x75: {  	[tilespmem:s19+$0x8F90] =	vst v0  }
0x76: {  	[tilespmem:s19+$0x8FA0] =	vst v0  }
0x77: {  	[tilespmem:s19+$0x8FB0] =	vst v0  }
0x78: {  	[tilespmem:s19+$0x8FC0] =	vst v0  }
0x79: {  	[tilespmem:s19+$0x8FD0] =	vst v0  }
0x7a: {  	[tilespmem:s19+$0x8FE0] =	vst v0  }
0x7b: {  	[tilespmem:s19+$0x8FF0] =	vst v0  }
0x7c: {  	[tilespmem:s19+$0x9380] =	vst v0  }
0x7d: {  	[tilespmem:s19+$0x9390] =	vst v0  }
0x7e: {  	[tilespmem:s19+$0x93A0] =	vst v0  }
0x7f: {  	[tilespmem:s19+$0x93B0] =	vst v0  }
0x80: {  	[tilespmem:s19+$0x93C0] =	vst v0  }
0x81: {  	[tilespmem:s19+$0x93D0] =	vst v0  }
0x82: {  	[tilespmem:s19+$0x93E0] =	vst v0  }
0x83: {  	[tilespmem:s19+$0x93F0] =	vst v0  }
0x84: {  	[tilespmem:s19+$0x9780] =	vst v0  }
0x85: {  	[tilespmem:s19+$0x9790] =	vst v0  }
0x86: {  	[tilespmem:s19+$0x97A0] =	vst v0  }
0x87: {  	[tilespmem:s19+$0x97B0] =	vst v0  }
0x88: {  	[tilespmem:s19+$0x97C0] =	vst v0  }
0x89: {  	[tilespmem:s19+$0x97D0] =	vst v0  }
0x8a: {  	[tilespmem:s19+$0x97E0] =	vst v0  }
0x8b: {  	[tilespmem:s19+$0x97F0] =	vst v0  }
0x8c: {  	[tilespmem:s19+$0x9B80] =	vst v0  }
0x8d: {  	[tilespmem:s19+$0x9B90] =	vst v0  }
0x8e: {  	[tilespmem:s19+$0x9BA0] =	vst v0  }
0x8f: {  	[tilespmem:s19+$0x9BB0] =	vst v0  }
0x90: {  	s23 =	sand.u32 $0x7, s16;
	[tilespmem:s19+$0x9BC0] =	vst v0  }
0x91: {  	s20 =	sshll.u32 s23, $0x7;
	[tilespmem:s19+$0x9BD0] =	vst v0  }
0x92: {  	s20 =	sadd.s32 s20, s17;
	[tilespmem:s19+$0x9BE0] =	vst v0  }
0x93: {  	[tilespmem:s19+$0x9BF0] =	vst v0;
	s24 =	sor.u32 $0x1C00, s20  }
0x94: {  	s25 =	sor.u32 $0x1C10, s20;
	[tilespmem:s24+$0x8380] =	vst v0  }
0x95: {  	p0 =	sne.s32 s18, $0xC80;
	s26 =	sor.u32 $0x1C20, s20;
	[tilespmem:s25+$0x8380] =	vst v0  }
.Ltmp1:
0x96: {  	s28 =	sor.u32 $0x1C30, s20;
	[tilespmem:s26+$0x8380] =	vst v0;
	(pc) =	sbr.rel @p0 .LBB2_4-.Ltmp1, $4  }
0x97: {  	s29 =	sor.u32 $0x1C40, s20;
	[tilespmem:s28+$0x8380] =	vst v0  }
0x98: {  	s30 =	sor.u32 $0x1C50, s20;
	[tilespmem:s29+$0x8380] =	vst v0  }
0x99: {  	s16 =	sadd.s32 $0x1, s16;
	s31 =	sor.u32 $0x1C58, s20;
	[tilespmem:s30+$0x8380] =	vst v0  }
0x9a: {  	s15 =	sadd.s32 $0x400, s15;
	s18 =	sadd.s32 $0x80, s18;
	s17 =	sadd.s32 $0x400, s17;
	[tilespmem:s31+$0x8380] =	vst v0  }
0x9b: {  	v4 =	vld [tilespmem:$0x0];
	_ =	sdelay $0x4  }
0x9c: {  	v5 =	vshll.u32 v4, $0x3  }
0x9d: {  	v4 =	vand.u32 $0x7F, v4;
	v5 =	vand.u32 $0xFFFFFC00, v5  }
0x9e: {  	v4 =	vor.u32 v4, v5  }
0x9f: {  	v4 =	vadd.s32 v1, v4;
	_ =	sdelay $0x4  }
0xa0: {  	[tilespmem:v4+s10+$0x0] =	vst.idx.msk $0xffff, v2  }
0xa1: {  	v4 =	vld [tilespmem:$0x10];
	_ =	sdelay $0x4  }
0xa2: {  	v5 =	vshll.u32 v4, $0x3  }
0xa3: {  	v4 =	vand.u32 $0x7F, v4;
	v5 =	vand.u32 $0xFFFFFC00, v5  }
0xa4: {  	v4 =	vor.u32 v4, v5  }
0xa5: {  	v4 =	vadd.s32 v3, v4;
	_ =	sdelay $0x4  }
0xa6: {  	s15 =	simm.s32 $0x0;
	[tilespmem:v4+s10+$0x0] =	vst.idx.msk $0x3ff, v2  }
0xa7: {  	[hbm4b:s3+s15] =	stream.linear.scatter [tilespmem:s10], [sflag:$0x1], $0x8000, $0x38;
	[tilespmem:$0x10380] =	vst v63  }
0xa8: {  	v4 =	vld [tilespmem:$0x1A];
	_ =	sdelay $0x4  }
0xa9: {  	v5 =	vshll.u32 v4, $0x3  }
0xaa: {  	v4 =	vand.u32 $0x7F, v4;
	v5 =	vand.u32 $0xFFFFFC00, v5  }
0xab: {  	v4 =	vor.u32 v4, v5  }
0xac: {  	v4 =	vadd.s32 v1, v4;
	_ =	sdelay $0x4  }
0xad: {  	[tilespmem:v4+s11+$0x0] =	vst.idx.msk $0xffff, v2  }
0xae: {  	v4 =	vld [tilespmem:$0x2A];
	_ =	sdelay $0x4  }
0xaf: {  	v5 =	vshll.u32 v4, $0x3  }
0xb0: {  	v4 =	vand.u32 $0x7F, v4;
	v5 =	vand.u32 $0xFFFFFC00, v5  }
0xb1: {  	v4 =	vor.u32 v4, v5  }
0xb2: {  	v4 =	vadd.s32 v3, v4;
	_ =	sdelay $0x4  }
0xb3: {  	s16 =	simm.s32 $0x34;
	[tilespmem:v4+s11+$0x0] =	vst.idx.msk $0x3ff, v2  }
0xb4: {  	[hbm4b:s5+s15] =	stream.linear.scatter [tilespmem:s11], [sflag:$0x2], $0x8000, $0x38;
	[tilespmem:$0x10380] =	vst v63  }
.LBB2_6:
0xb5: {  	_ =	swait.ge [sflag:s12], $0x8000  }
0xb6: {  	[sflag:s12] =	ssyncset.done $0x0  }
0xb7: {  	[sflag:s12] =	ssyncadd.s32 $0xFFFF8000  }
0xb8: {  	v4 =	vld [tilespmem:s16+$0xFFFFFFCC];
	_ =	sdelay $0x4  }
0xb9: {  	v5 =	vshll.u32 v4, $0x3  }
0xba: {  	v4 =	vand.u32 $0x7F, v4;
	v5 =	vand.u32 $0xFFFFFC00, v5  }
0xbb: {  	v4 =	vor.u32 v4, v5  }
0xbc: {  	v4 =	vadd.s32 v1, v4;
	_ =	sdelay $0x4  }
0xbd: {  	[tilespmem:v4+s10+$0x0] =	vst.idx.msk $0xffff, v0  }
0xbe: {  	v4 =	vld [tilespmem:s16+$0xFFFFFFDC];
	_ =	sdelay $0x4  }
0xbf: {  	v5 =	vshll.u32 v4, $0x3  }
0xc0: {  	v4 =	vand.u32 $0x7F, v4;
	v5 =	vand.u32 $0xFFFFFC00, v5  }
0xc1: {  	v4 =	vor.u32 v4, v5  }
0xc2: {  	v4 =	vadd.s32 v3, v4;
	_ =	sdelay $0x4  }
0xc3: {  	[tilespmem:v4+s10+$0x0] =	vst.idx.msk $0x3ff, v0  }
0xc4: {  	v4 =	vld [tilespmem:s16+$0x0];
	_ =	sdelay $0x4  }
0xc5: {  	v5 =	vshll.u32 v4, $0x3  }
0xc6: {  	v4 =	vand.u32 $0x7F, v4;
	v5 =	vand.u32 $0xFFFFFC00, v5  }
0xc7: {  	v4 =	vor.u32 v4, v5  }
0xc8: {  	v4 =	vadd.s32 v1, v4;
	_ =	sdelay $0x4  }
0xc9: {  	[tilespmem:v4+s10+$0x0] =	vst.idx.msk $0xffff, v2  }
0xca: {  	v4 =	vld [tilespmem:s16+$0x10];
	_ =	sdelay $0x4  }
0xcb: {  	v5 =	vshll.u32 v4, $0x3  }
0xcc: {  	v4 =	vand.u32 $0x7F, v4;
	v5 =	vand.u32 $0xFFFFFC00, v5  }
0xcd: {  	v4 =	vor.u32 v4, v5  }
0xce: {  	v4 =	vadd.s32 v3, v4;
	_ =	sdelay $0x4  }
0xcf: {  	s17 =	sadd.s32 s15, s7;
	[tilespmem:v4+s10+$0x0] =	vst.idx.msk $0x3ff, v2  }
0xd0: {  	[hbm4b:s17+s2] =	stream.linear.scatter [tilespmem:s10], [sflag:$0x1], $0x8000, $0x38;
	[tilespmem:$0x10380] =	vst v63  }
0xd1: {  	_ =	swait.ge [sflag:s13], $0x8000  }
0xd2: {  	[sflag:s13] =	ssyncset.done $0x0  }
0xd3: {  	[sflag:s13] =	ssyncadd.s32 $0xFFFF8000  }
0xd4: {  	v4 =	vld [tilespmem:s16+$0xFFFFFFE6];
	_ =	sdelay $0x4  }
0xd5: {  	v5 =	vshll.u32 v4, $0x3  }
0xd6: {  	v4 =	vand.u32 $0x7F, v4;
	v5 =	vand.u32 $0xFFFFFC00, v5  }
0xd7: {  	v4 =	vor.u32 v4, v5  }
0xd8: {  	v4 =	vadd.s32 v1, v4;
	_ =	sdelay $0x4  }
0xd9: {  	[tilespmem:v4+s11+$0x0] =	vst.idx.msk $0xffff, v0  }
0xda: {  	v4 =	vld [tilespmem:s16+$0xFFFFFFF6];
	_ =	sdelay $0x4  }
0xdb: {  	v5 =	vshll.u32 v4, $0x3  }
0xdc: {  	v4 =	vand.u32 $0x7F, v4;
	v5 =	vand.u32 $0xFFFFFC00, v5  }
0xdd: {  	v4 =	vor.u32 v4, v5  }
0xde: {  	v4 =	vadd.s32 v3, v4;
	_ =	sdelay $0x4  }
0xdf: {  	[tilespmem:v4+s11+$0x0] =	vst.idx.msk $0x3ff, v0  }
0xe0: {  	v4 =	vld [tilespmem:s16+$0x1A];
	_ =	sdelay $0x4  }
0xe1: {  	v5 =	vshll.u32 v4, $0x3  }
0xe2: {  	v4 =	vand.u32 $0x7F, v4;
	v5 =	vand.u32 $0xFFFFFC00, v5  }
0xe3: {  	v4 =	vor.u32 v4, v5  }
0xe4: {  	v4 =	vadd.s32 v1, v4;
	_ =	sdelay $0x4  }
0xe5: {  	[tilespmem:v4+s11+$0x0] =	vst.idx.msk $0xffff, v2  }
0xe6: {  	v4 =	vld [tilespmem:s16+$0x2A];
	_ =	sdelay $0x4  }
0xe7: {  	v5 =	vshll.u32 v4, $0x3  }
0xe8: {  	v4 =	vand.u32 $0x7F, v4;
	v5 =	vand.u32 $0xFFFFFC00, v5  }
0xe9: {  	v4 =	vor.u32 v4, v5  }
0xea: {  	v4 =	vadd.s32 v3, v4  }
0xeb: {  	p0 =	sne.s32 s15, $0x1C000  }
.Ltmp2:
0xec: {  	_ = 	snop;
	(pc) =	sbr.rel @p0 .LBB2_6-.Ltmp2, $3  }
0xed: {  	_ =	sdelay $0x1  }
0xee: {  	s31 =	sadd.s32 s15, s8;
	s15 =	sadd.s32 $0x2000, s15;
	s16 =	sadd.s32 $0x34, s16;
	[tilespmem:v4+s11+$0x0] =	vst.idx.msk $0x3ff, v2  }
0xef: {  	[hbm4b:s31+s2] =	stream.linear.scatter [tilespmem:s11], [sflag:$0x2], $0x8000, $0x38;
	[tilespmem:$0x10380] =	vst v63  }
0xf0: {  	s14 =	sadd.s32 $0x1, s14  }
0xf1: {  	_ =	swait.ge [sflag:s12], $0x8000;
	p0 =	sne.s32 s14, s6  }
.Ltmp3:
0xf2: {  	[sflag:s12] =	ssyncset.done $0x0;
	(pc) =	sbr.rel @p0 .LBB2_1-.Ltmp3, $4  }
0xf3: {  	[sflag:s12] =	ssyncadd.s32 $0xFFFF8000  }
0xf4: {  	_ =	swait.ge [sflag:s13], $0x8000  }
0xf5: {  	[sflag:s13] =	ssyncset.done $0x0  }
0xf6: {  	[sflag:s13] =	ssyncadd.s32 $0xFFFF8000  }
0xf7: {  	_ =	sfence.sel $0x180000  }
0xf8: {  	[bflag:$0x0] =	sbarrier.arrive $0xFFFF  }
0xf9: {  	p0 =	sne.s32 s1, $0x0;
	_ =	strace $0x90000047  }
0xfa: {  	s0 =	sadd.s32 @!p0 $0x100000, s0;
	[bflag:$0x2] =	sbarrier.arrive $0xFFFF  }
0xfb: {  	[sflag:s0] =	ssyncadd.tile.s32 @!p0 $0x1;
	_ =	shalt  }
.Lfunc_end2:
_tile_overlayer_lowered:
.L_overlay_start_2:
0xfc: {  	(tag) =	ssettag $0x2  }
0xfd: {  	s0 =	rddreg [dreg:$0x0];
	s2 =	stileid.u32  }
0xfe: {  	s1 =	rddreg [dreg:$0x1];
	p0 =	sne.s32 s2, $0x0  }
0xff: {  	s3 =	rddreg [dreg:$0x2];
	[bflag:$0x3] =	sbarrier.arrive $0xFFFF;
	s2 =	simm.s32 @!p0 $0x1C03  }
0x100: {  	[timem:s3], [sflag:s2] =	dma.local @!p0 [hbm:s0], s1  }
0x101: {  	s0 =	simm.s32 @!p0 $0x3  }
0x102: {  	_ =	swait.ge @!p0 [sflag:s0], s1  }
0x103: {  	s1 =	ssub.s32 @!p0 $0x0, s1;
	[sflag:s0] =	ssyncset.done @!p0 $0x0  }
0x104: {  	[sflag:s0] =	ssyncadd.s32 @!p0 s1  }
0x105: {  	[bflag:$0x3] =	sbarrier.arrive $0xFFFF  }
0x106: {  	_ =	shalt  }

</sc_bundles>
